<compile_context>
chip_gen: v7x
topology: tpu7x:2x2x1
jax: 0.10.2.dev20260603
libtpu: 0.0.44.dev20260713+nightly
codegen_flags: <defaults>
</compile_context>

<pallas_src>
import functools

import jax
import jax.numpy as jnp
from jax import lax
from jax.experimental import pallas as pl
from jax.experimental.pallas import tpu as pltpu
from jax.experimental.pallas import tpu_sc as plsc

_N = 10000
_E = 320000
_DIN = 128
_DOUT = 256

_NC = 2
_NS = 16
_NW = _NC * _NS
_CHUNK = 80
_NCHUNK = 125
_EPW = _CHUNK * _NCHUNK
_RPAD = 10240
_RPT = _RPAD // _NS
_ZC = 128
_MBLK = 1024

_mesh = plsc.VectorSubcoreMesh(core_axis_name="c", subcore_axis_name="s")


@functools.partial(
    pl.kernel,
    mesh=_mesh,
    out_type=jax.ShapeDtypeStruct((_NC, _RPAD, _DIN), jnp.float32),
    scratch_types=[
        pltpu.VMEM((_CHUNK, _DIN), jnp.float32),
        pltpu.VMEM((_CHUNK, _DIN), jnp.float32),
        pltpu.VMEM((_EPW,), jnp.int32),
        pltpu.VMEM((_NCHUNK, _CHUNK), jnp.int32),
        pltpu.VMEM_SHARED((_RPAD, _DIN), jnp.float32),
        pltpu.SemaphoreType.DMA,
        pltpu.SemaphoreType.DMA,
    ],
)
def _sc_segsum(src_hbm, dst_hbm, x_hbm, zeros_hbm, out_hbm,
               rows0_v, rows1_v, src_v, dst_v, acc_sh, sem0, sem1):
    c = lax.axis_index("c")
    s = lax.axis_index("s")
    wid = c * _NS + s
    pltpu.sync_copy(src_hbm.at[wid], src_v)
    pltpu.sync_copy(dst_hbm.at[wid], dst_v)
    for k in range(_RPT // _ZC):
        pltpu.sync_copy(zeros_hbm, acc_sh.at[pl.ds(s * _RPT + k * _ZC, _ZC)])
    plsc.subcore_barrier()

    def _gather(j, buf, sem):
        pltpu.async_copy(x_hbm.at[src_v.at[pl.ds(j * _CHUNK, _CHUNK)]],
                         buf, sem)

    def _gwait(j, buf, sem):
        pltpu.make_async_copy(x_hbm.at[src_v.at[pl.ds(j * _CHUNK, _CHUNK)]],
                              buf, sem).wait()

    def _scat(j, buf):
        pltpu.sync_copy(buf, acc_sh.at[dst_v.at[j]], add=True)

    _gather(0, rows0_v, sem0)
    _gather(1, rows1_v, sem1)

    def body(g, carry):
        j0 = 2 * g
        _gwait(j0, rows0_v, sem0)
        _scat(j0, rows0_v)
        _gather(j0 + 2, rows0_v, sem0)
        _gwait(j0 + 1, rows1_v, sem1)
        _scat(j0 + 1, rows1_v)
        _gather(j0 + 3, rows1_v, sem1)
        return carry

    lax.fori_loop(0, 60, body, 0)
    _gwait(120, rows0_v, sem0)
    _scat(120, rows0_v)
    _gather(122, rows0_v, sem0)
    _gwait(121, rows1_v, sem1)
    _scat(121, rows1_v)
    _gather(123, rows1_v, sem1)
    _gwait(122, rows0_v, sem0)
    _scat(122, rows0_v)
    _gather(124, rows0_v, sem0)
    _gwait(123, rows1_v, sem1)
    _scat(123, rows1_v)
    _gwait(124, rows0_v, sem0)
    _scat(124, rows0_v)

    plsc.subcore_barrier()
    for k in range(_RPT // _ZC):
        r0 = s * _RPT + k * _ZC
        pltpu.sync_copy(acc_sh.at[pl.ds(r0, _ZC)], out_hbm.at[c, pl.ds(r0, _ZC)])


def _tc_body(a_ref, w_ref, b_ref, o_ref):
    blk = a_ref[0] + a_ref[1]
    y = jnp.dot(blk, w_ref[...], preferred_element_type=jnp.float32)
    o_ref[...] = jnp.maximum(y + b_ref[...], 0.0)


_tc_matmul = pl.pallas_call(
    _tc_body,
    grid=(_RPAD // _MBLK,),
    in_specs=[
        pl.BlockSpec((_NC, _MBLK, _DIN), lambda i: (0, i, 0)),
        pl.BlockSpec((_DIN, _DOUT), lambda i: (0, 0)),
        pl.BlockSpec((1, _DOUT), lambda i: (0, 0)),
    ],
    out_specs=pl.BlockSpec((_MBLK, _DOUT), lambda i: (i, 0)),
    out_shape=jax.ShapeDtypeStruct((_N, _DOUT), jnp.float32),
)


def kernel(x, edge_index, W, b):
    ei = edge_index.astype(jnp.int32)
    src = ei[0].reshape(_NW, _EPW)
    dst = ei[1].reshape(_NW, _NCHUNK, _CHUNK)
    zeros = jnp.zeros((_ZC, _DIN), jnp.float32)
    acc = _sc_segsum(src, dst, x, zeros)
    return _tc_matmul(acc, W, b.reshape(1, _DOUT))

# --- scband reference (transcript-rebuilt; emitter-appended) ---
"""Pipeline reference for scband-gcnblock-2499670966776 (READ-ONLY COPY).

The authoritative reference and input builder live on the scoring server;
editing this copy changes nothing except your own understanding.
"""

import jax, jax.numpy as jnp
import numpy as np

N_NODES = 10000
N_EDGES = 320000
D_IN = 128
D_OUT = 256


def setup_inputs(seed: int = 0) -> dict:
    key = jax.random.key(seed)
    k1, k2, k3, k4 = jax.random.split(key, 4)
    x = jax.random.normal(k1, (N_NODES, D_IN), dtype=jnp.float32)
    edge_index = jax.random.randint(k2, (2, N_EDGES), 0, N_NODES)
    # Learned parameters of the inner GraphConvLayer (hidden_dim=256, bias=True)
    W = jax.random.normal(k3, (D_IN, D_OUT), dtype=jnp.float32) * 0.05
    b = jnp.zeros((D_OUT,), dtype=jnp.float32)
    return {"x": x, "edge_index": edge_index, "W": W, "b": b}


def reference(x, edge_index, W, b):
    # GraphConvLayer: aggregate neighbor features via (sparse) adjacency matmul,
    # then linear transform + bias. Here the adjacency is expressed as an
    # edge list, so adj @ (x W) == segment_sum over destination nodes of the
    # transformed source-node features.
    h = x @ W  # [N, D_OUT]
    src = edge_index[0]
    dst = edge_index[1]
    msg = jnp.take(h, src, axis=0)  # gather: [E, D_OUT]
    agg = jax.ops.segment_sum(msg, dst, num_segments=N_NODES)  # scatter-add
    out = agg + b
    # GCNBlock: ReLU activation; dropout is identity at inference time.
    return jax.nn.relu(out)

if __name__ == "__main__":
    import jax
    _d = setup_inputs()
    print(jax.jit(kernel)(*tuple(_d.values())))

</pallas_src>

<mosaic_0001>
#map = affine_map<(d0, d1) -> (0, 0)>
#map1 = affine_map<(d0, d1) -> (0, 0, 0)>
module attributes {stable_mosaic.version = 14 : i64} {
  func.func @_sc_segsum(%arg0: i32, %arg1: i32, %arg2: memref<32x10000xi32, #tpu.memory_space<hbm>>, %arg3: memref<32x125x80xi32, #tpu.memory_space<hbm>>, %arg4: memref<10000x128xf32, #tpu.memory_space<hbm>>, %arg5: memref<128x128xf32, #tpu.memory_space<hbm>>, %arg6: memref<2x10240x128xf32, #tpu.memory_space<hbm>>, %arg7: memref<80x128xf32, #tpu.memory_space<vmem>>, %arg8: memref<80x128xf32, #tpu.memory_space<vmem>>, %arg9: memref<10000xi32, #tpu.memory_space<vmem>>, %arg10: memref<125x80xi32, #tpu.memory_space<vmem>>, %arg11: memref<10240x128xf32, #tpu.memory_space<vmem_shared>>, %arg12: memref<!tpu.dma_semaphore, #tpu.memory_space<semaphore_mem>>, %arg13: memref<!tpu.dma_semaphore, #tpu.memory_space<semaphore_mem>>) attributes {dimension_semantics = [#tpu.dimension_semantics<core_parallel>, #tpu.dimension_semantics<subcore_parallel>], iteration_bounds = array<i64: 2, 16>, scalar_prefetch = 0 : i64, scratch_operands = 7 : i64, tpu.core_type = #tpu.core_type<sc_vector_subcore>, window_params = [{transform_indices = #map}, {transform_indices = #map1}, {transform_indices = #map}, {transform_indices = #map}, {transform_indices = #map1}]} {
    %mul3A = arith.constant 16 : i32
    %mul3A_0 = arith.muli %arg0, %mul3A : i32
    %add3A = arith.addi %mul3A_0, %arg1 : i32
    "tpu.region"() ({
      %run_scoped3A_99 = tpu.sem_alloc : memref<!tpu.dma_semaphore, #tpu.memory_space<semaphore_mem>>
      %dma_start3A_100 = arith.constant 0 : i32
      %dma_start3A_101 = tpu.memref_slice %arg2[%add3A, %dma_start3A_100] : memref<32x10000xi32, #tpu.memory_space<hbm>> -> memref<1x10000xi32, #tpu.memory_space<hbm>>
      %dma_start3A_102 = tpu.memref_squeeze %dma_start3A_101 : memref<1x10000xi32, #tpu.memory_space<hbm>> -> memref<10000xi32, #tpu.memory_space<hbm>>
      %dma_start3A_103 = arith.constant 0 : i32
      %dma_start3A_104 = tpu.memref_slice %arg2[%add3A, %dma_start3A_103] : memref<32x10000xi32, #tpu.memory_space<hbm>> -> memref<1x10000xi32, #tpu.memory_space<hbm>>
      %dma_start3A_105 = tpu.memref_squeeze %dma_start3A_104 : memref<1x10000xi32, #tpu.memory_space<hbm>> -> memref<10000xi32, #tpu.memory_space<hbm>>
      tpu.enqueue_dma source(%dma_start3A_105 : memref<10000xi32, #tpu.memory_space<hbm>>) target(%arg9 : memref<10000xi32, #tpu.memory_space<vmem>>) target_semaphore(%run_scoped3A_99 : memref<!tpu.dma_semaphore, #tpu.memory_space<semaphore_mem>>)
      %dma_wait3A_106 = arith.constant 0 : i32
      %dma_wait3A_107 = tpu.memref_slice %arg2[%add3A, %dma_wait3A_106] : memref<32x10000xi32, #tpu.memory_space<hbm>> -> memref<1x10000xi32, #tpu.memory_space<hbm>>
      %dma_wait3A_108 = tpu.memref_squeeze %dma_wait3A_107 : memref<1x10000xi32, #tpu.memory_space<hbm>> -> memref<10000xi32, #tpu.memory_space<hbm>>
      %dma_wait3A_109 = arith.constant 0 : i32
      %dma_wait3A_110 = tpu.memref_slice %arg2[%add3A, %dma_wait3A_109] : memref<32x10000xi32, #tpu.memory_space<hbm>> -> memref<1x10000xi32, #tpu.memory_space<hbm>>
      %dma_wait3A_111 = tpu.memref_squeeze %dma_wait3A_110 : memref<1x10000xi32, #tpu.memory_space<hbm>> -> memref<10000xi32, #tpu.memory_space<hbm>>
      tpu.wait_dma2 semaphore(%run_scoped3A_99 : memref<!tpu.dma_semaphore, #tpu.memory_space<semaphore_mem>>) src(%dma_wait3A_111 : memref<10000xi32, #tpu.memory_space<hbm>>) dst(%arg9 : memref<10000xi32, #tpu.memory_space<vmem>>)
      tpu.yield
    }) : () -> ()
    "tpu.region"() ({
      %run_scoped3A_99 = tpu.sem_alloc : memref<!tpu.dma_semaphore, #tpu.memory_space<semaphore_mem>>
      %dma_start3A_100 = arith.constant 0 : i32
      %dma_start3A_101 = arith.constant 0 : i32
      %dma_start3A_102 = tpu.memref_slice %arg3[%add3A, %dma_start3A_100, %dma_start3A_101] : memref<32x125x80xi32, #tpu.memory_space<hbm>> -> memref<1x125x80xi32, #tpu.memory_space<hbm>>
      %dma_start3A_103 = tpu.memref_squeeze %dma_start3A_102 : memref<1x125x80xi32, #tpu.memory_space<hbm>> -> memref<125x80xi32, #tpu.memory_space<hbm>>
      %dma_start3A_104 = arith.constant 0 : i32
      %dma_start3A_105 = arith.constant 0 : i32
      %dma_start3A_106 = tpu.memref_slice %arg3[%add3A, %dma_start3A_104, %dma_start3A_105] : memref<32x125x80xi32, #tpu.memory_space<hbm>> -> memref<1x125x80xi32, #tpu.memory_space<hbm>>
      %dma_start3A_107 = tpu.memref_squeeze %dma_start3A_106 : memref<1x125x80xi32, #tpu.memory_space<hbm>> -> memref<125x80xi32, #tpu.memory_space<hbm>>
      tpu.enqueue_dma source(%dma_start3A_107 : memref<125x80xi32, #tpu.memory_space<hbm>>) target(%arg10 : memref<125x80xi32, #tpu.memory_space<vmem>>) target_semaphore(%run_scoped3A_99 : memref<!tpu.dma_semaphore, #tpu.memory_space<semaphore_mem>>)
      %dma_wait3A_108 = arith.constant 0 : i32
      %dma_wait3A_109 = arith.constant 0 : i32
      %dma_wait3A_110 = tpu.memref_slice %arg3[%add3A, %dma_wait3A_108, %dma_wait3A_109] : memref<32x125x80xi32, #tpu.memory_space<hbm>> -> memref<1x125x80xi32, #tpu.memory_space<hbm>>
      %dma_wait3A_111 = tpu.memref_squeeze %dma_wait3A_110 : memref<1x125x80xi32, #tpu.memory_space<hbm>> -> memref<125x80xi32, #tpu.memory_space<hbm>>
      %dma_wait3A_112 = arith.constant 0 : i32
      %dma_wait3A_113 = arith.constant 0 : i32
      %dma_wait3A_114 = tpu.memref_slice %arg3[%add3A, %dma_wait3A_112, %dma_wait3A_113] : memref<32x125x80xi32, #tpu.memory_space<hbm>> -> memref<1x125x80xi32, #tpu.memory_space<hbm>>
      %dma_wait3A_115 = tpu.memref_squeeze %dma_wait3A_114 : memref<1x125x80xi32, #tpu.memory_space<hbm>> -> memref<125x80xi32, #tpu.memory_space<hbm>>
      tpu.wait_dma2 semaphore(%run_scoped3A_99 : memref<!tpu.dma_semaphore, #tpu.memory_space<semaphore_mem>>) src(%dma_wait3A_115 : memref<125x80xi32, #tpu.memory_space<hbm>>) dst(%arg10 : memref<125x80xi32, #tpu.memory_space<vmem>>)
      tpu.yield
    }) : () -> ()
    %mul3A_1 = arith.constant 640 : i32
    %mul3A_2 = arith.muli %arg1, %mul3A_1 : i32
    %add3A_3 = arith.constant 0 : i32
    %add3A_4 = arith.addi %mul3A_2, %add3A_3 : i32
    "tpu.region"() ({
      %run_scoped3A_99 = tpu.sem_alloc : memref<!tpu.dma_semaphore, #tpu.memory_space<semaphore_mem>>
      %dma_start3A_100 = arith.constant 0 : i32
      %dma_start3A_101 = tpu.memref_slice %arg11[%add3A_4, %dma_start3A_100] : memref<10240x128xf32, #tpu.memory_space<vmem_shared>> -> memref<128x128xf32, #tpu.memory_space<vmem_shared>>
      tpu.enqueue_dma source(%arg5 : memref<128x128xf32, #tpu.memory_space<hbm>>) target(%dma_start3A_101 : memref<128x128xf32, #tpu.memory_space<vmem_shared>>) target_semaphore(%run_scoped3A_99 : memref<!tpu.dma_semaphore, #tpu.memory_space<semaphore_mem>>)
      %dma_wait3A_102 = arith.constant 0 : i32
      %dma_wait3A_103 = tpu.memref_slice %arg11[%add3A_4, %dma_wait3A_102] : memref<10240x128xf32, #tpu.memory_space<vmem_shared>> -> memref<128x128xf32, #tpu.memory_space<vmem_shared>>
      tpu.wait_dma2 semaphore(%run_scoped3A_99 : memref<!tpu.dma_semaphore, #tpu.memory_space<semaphore_mem>>) src(%arg5 : memref<128x128xf32, #tpu.memory_space<hbm>>) dst(%dma_wait3A_103 : memref<128x128xf32, #tpu.memory_space<vmem_shared>>)
      tpu.yield
    }) : () -> ()
    %mul3A_5 = arith.constant 640 : i32
    %mul3A_6 = arith.muli %arg1, %mul3A_5 : i32
    %add3A_7 = arith.constant 128 : i32
    %add3A_8 = arith.addi %mul3A_6, %add3A_7 : i32
    "tpu.region"() ({
      %run_scoped3A_99 = tpu.sem_alloc : memref<!tpu.dma_semaphore, #tpu.memory_space<semaphore_mem>>
      %dma_start3A_100 = arith.constant 0 : i32
      %dma_start3A_101 = tpu.memref_slice %arg11[%add3A_8, %dma_start3A_100] : memref<10240x128xf32, #tpu.memory_space<vmem_shared>> -> memref<128x128xf32, #tpu.memory_space<vmem_shared>>
      tpu.enqueue_dma source(%arg5 : memref<128x128xf32, #tpu.memory_space<hbm>>) target(%dma_start3A_101 : memref<128x128xf32, #tpu.memory_space<vmem_shared>>) target_semaphore(%run_scoped3A_99 : memref<!tpu.dma_semaphore, #tpu.memory_space<semaphore_mem>>)
      %dma_wait3A_102 = arith.constant 0 : i32
      %dma_wait3A_103 = tpu.memref_slice %arg11[%add3A_8, %dma_wait3A_102] : memref<10240x128xf32, #tpu.memory_space<vmem_shared>> -> memref<128x128xf32, #tpu.memory_space<vmem_shared>>
      tpu.wait_dma2 semaphore(%run_scoped3A_99 : memref<!tpu.dma_semaphore, #tpu.memory_space<semaphore_mem>>) src(%arg5 : memref<128x128xf32, #tpu.memory_space<hbm>>) dst(%dma_wait3A_103 : memref<128x128xf32, #tpu.memory_space<vmem_shared>>)
      tpu.yield
    }) : () -> ()
    %mul3A_9 = arith.constant 640 : i32
    %mul3A_10 = arith.muli %arg1, %mul3A_9 : i32
    %add3A_11 = arith.constant 256 : i32
    %add3A_12 = arith.addi %mul3A_10, %add3A_11 : i32
    "tpu.region"() ({
      %run_scoped3A_99 = tpu.sem_alloc : memref<!tpu.dma_semaphore, #tpu.memory_space<semaphore_mem>>
      %dma_start3A_100 = arith.constant 0 : i32
      %dma_start3A_101 = tpu.memref_slice %arg11[%add3A_12, %dma_start3A_100] : memref<10240x128xf32, #tpu.memory_space<vmem_shared>> -> memref<128x128xf32, #tpu.memory_space<vmem_shared>>
      tpu.enqueue_dma source(%arg5 : memref<128x128xf32, #tpu.memory_space<hbm>>) target(%dma_start3A_101 : memref<128x128xf32, #tpu.memory_space<vmem_shared>>) target_semaphore(%run_scoped3A_99 : memref<!tpu.dma_semaphore, #tpu.memory_space<semaphore_mem>>)
      %dma_wait3A_102 = arith.constant 0 : i32
      %dma_wait3A_103 = tpu.memref_slice %arg11[%add3A_12, %dma_wait3A_102] : memref<10240x128xf32, #tpu.memory_space<vmem_shared>> -> memref<128x128xf32, #tpu.memory_space<vmem_shared>>
      tpu.wait_dma2 semaphore(%run_scoped3A_99 : memref<!tpu.dma_semaphore, #tpu.memory_space<semaphore_mem>>) src(%arg5 : memref<128x128xf32, #tpu.memory_space<hbm>>) dst(%dma_wait3A_103 : memref<128x128xf32, #tpu.memory_space<vmem_shared>>)
      tpu.yield
    }) : () -> ()
    %mul3A_13 = arith.constant 640 : i32
    %mul3A_14 = arith.muli %arg1, %mul3A_13 : i32
    %add3A_15 = arith.constant 384 : i32
    %add3A_16 = arith.addi %mul3A_14, %add3A_15 : i32
    "tpu.region"() ({
      %run_scoped3A_99 = tpu.sem_alloc : memref<!tpu.dma_semaphore, #tpu.memory_space<semaphore_mem>>
      %dma_start3A_100 = arith.constant 0 : i32
      %dma_start3A_101 = tpu.memref_slice %arg11[%add3A_16, %dma_start3A_100] : memref<10240x128xf32, #tpu.memory_space<vmem_shared>> -> memref<128x128xf32, #tpu.memory_space<vmem_shared>>
      tpu.enqueue_dma source(%arg5 : memref<128x128xf32, #tpu.memory_space<hbm>>) target(%dma_start3A_101 : memref<128x128xf32, #tpu.memory_space<vmem_shared>>) target_semaphore(%run_scoped3A_99 : memref<!tpu.dma_semaphore, #tpu.memory_space<semaphore_mem>>)
      %dma_wait3A_102 = arith.constant 0 : i32
      %dma_wait3A_103 = tpu.memref_slice %arg11[%add3A_16, %dma_wait3A_102] : memref<10240x128xf32, #tpu.memory_space<vmem_shared>> -> memref<128x128xf32, #tpu.memory_space<vmem_shared>>
      tpu.wait_dma2 semaphore(%run_scoped3A_99 : memref<!tpu.dma_semaphore, #tpu.memory_space<semaphore_mem>>) src(%arg5 : memref<128x128xf32, #tpu.memory_space<hbm>>) dst(%dma_wait3A_103 : memref<128x128xf32, #tpu.memory_space<vmem_shared>>)
      tpu.yield
    }) : () -> ()
    %mul3A_17 = arith.constant 640 : i32
    %mul3A_18 = arith.muli %arg1, %mul3A_17 : i32
    %add3A_19 = arith.constant 512 : i32
    %add3A_20 = arith.addi %mul3A_18, %add3A_19 : i32
    "tpu.region"() ({
      %run_scoped3A_99 = tpu.sem_alloc : memref<!tpu.dma_semaphore, #tpu.memory_space<semaphore_mem>>
      %dma_start3A_100 = arith.constant 0 : i32
      %dma_start3A_101 = tpu.memref_slice %arg11[%add3A_20, %dma_start3A_100] : memref<10240x128xf32, #tpu.memory_space<vmem_shared>> -> memref<128x128xf32, #tpu.memory_space<vmem_shared>>
      tpu.enqueue_dma source(%arg5 : memref<128x128xf32, #tpu.memory_space<hbm>>) target(%dma_start3A_101 : memref<128x128xf32, #tpu.memory_space<vmem_shared>>) target_semaphore(%run_scoped3A_99 : memref<!tpu.dma_semaphore, #tpu.memory_space<semaphore_mem>>)
      %dma_wait3A_102 = arith.constant 0 : i32
      %dma_wait3A_103 = tpu.memref_slice %arg11[%add3A_20, %dma_wait3A_102] : memref<10240x128xf32, #tpu.memory_space<vmem_shared>> -> memref<128x128xf32, #tpu.memory_space<vmem_shared>>
      tpu.wait_dma2 semaphore(%run_scoped3A_99 : memref<!tpu.dma_semaphore, #tpu.memory_space<semaphore_mem>>) src(%arg5 : memref<128x128xf32, #tpu.memory_space<hbm>>) dst(%dma_wait3A_103 : memref<128x128xf32, #tpu.memory_space<vmem_shared>>)
      tpu.yield
    }) : () -> ()
    %barrier3A = arith.constant 0 : index
    tpu.barrier barrier_id(%barrier3A)
    %dma_start3A = arith.constant 0 : i32
    %dma_start3A_21 = tpu.memref_slice %arg9[%dma_start3A] : memref<10000xi32, #tpu.memory_space<vmem>> -> memref<80xi32, #tpu.memory_space<vmem>>
    %dma_start3A_22 = arith.constant 0 : i32
    %dma_start3A_23 = arith.constant 0 : i32
    %dma_start3A_24 = tpu.memref_slice %arg4[%dma_start3A_22, %dma_start3A_23] : memref<10000x128xf32, #tpu.memory_space<hbm>> -> memref<10000x128xf32, #tpu.memory_space<hbm>>
    tpu.enqueue_indirect_dma source(%dma_start3A_24 : memref<10000x128xf32, #tpu.memory_space<hbm>>) target(%arg7 : memref<80x128xf32, #tpu.memory_space<vmem>>) offsets(%dma_start3A_21 : memref<80xi32, #tpu.memory_space<vmem>>) semaphore(%arg12 : memref<!tpu.dma_semaphore, #tpu.memory_space<semaphore_mem>>)
    %dma_start3A_25 = arith.constant 80 : i32
    %dma_start3A_26 = tpu.memref_slice %arg9[%dma_start3A_25] : memref<10000xi32, #tpu.memory_space<vmem>> -> memref<80xi32, #tpu.memory_space<vmem>>
    %dma_start3A_27 = arith.constant 0 : i32
    %dma_start3A_28 = arith.constant 0 : i32
    %dma_start3A_29 = tpu.memref_slice %arg4[%dma_start3A_27, %dma_start3A_28] : memref<10000x128xf32, #tpu.memory_space<hbm>> -> memref<10000x128xf32, #tpu.memory_space<hbm>>
    tpu.enqueue_indirect_dma source(%dma_start3A_29 : memref<10000x128xf32, #tpu.memory_space<hbm>>) target(%arg8 : memref<80x128xf32, #tpu.memory_space<vmem>>) offsets(%dma_start3A_26 : memref<80xi32, #tpu.memory_space<vmem>>) semaphore(%arg13 : memref<!tpu.dma_semaphore, #tpu.memory_space<semaphore_mem>>)
    %scan3A = arith.constant 0 : i32
    %scan3A_30 = arith.constant 0 : i32
    %scan3A_31 = arith.constant 60 : i32
    %scan3A_32 = arith.addi %scan3A_30, %scan3A_31 : i32
    %scan3A_33 = arith.constant 1 : i32
    scf.for %scan3A_99 = %scan3A_30 to %scan3A_32 step %scan3A_33  : i32 {
      %mul3A_100 = arith.constant 2 : i32
      %mul3A_101 = arith.muli %mul3A_100, %scan3A_99 : i32
      %mul3A_102 = arith.constant 80 : i32
      %mul3A_103 = arith.muli %mul3A_101, %mul3A_102 : i32
      %dma_wait3A_104 = tpu.memref_slice %arg9[%mul3A_103] : memref<10000xi32, #tpu.memory_space<vmem>> -> memref<80xi32, #tpu.memory_space<vmem>>
      %dma_wait3A_105 = arith.constant 0 : i32
      %dma_wait3A_106 = arith.constant 0 : i32
      %dma_wait3A_107 = tpu.memref_slice %arg4[%dma_wait3A_105, %dma_wait3A_106] : memref<10000x128xf32, #tpu.memory_space<hbm>> -> memref<10000x128xf32, #tpu.memory_space<hbm>>
      tpu.wait_indirect_dma semaphore(%arg12 : memref<!tpu.dma_semaphore, #tpu.memory_space<semaphore_mem>>) src(%dma_wait3A_107 : memref<10000x128xf32, #tpu.memory_space<hbm>>) dst(%arg7 : memref<80x128xf32, #tpu.memory_space<vmem>>)
      "tpu.region"() ({
        %run_scoped3A_134 = tpu.sem_alloc : memref<!tpu.dma_semaphore, #tpu.memory_space<semaphore_mem>>
        %dma_start3A_135 = arith.constant 0 : i32
        %dma_start3A_136 = tpu.memref_slice %arg10[%mul3A_101, %dma_start3A_135] : memref<125x80xi32, #tpu.memory_space<vmem>> -> memref<1x80xi32, #tpu.memory_space<vmem>>
        %dma_start3A_137 = tpu.memref_squeeze %dma_start3A_136 : memref<1x80xi32, #tpu.memory_space<vmem>> -> memref<80xi32, #tpu.memory_space<vmem>>
        %dma_start3A_138 = arith.constant 0 : i32
        %dma_start3A_139 = arith.constant 0 : i32
        %dma_start3A_140 = tpu.memref_slice %arg11[%dma_start3A_138, %dma_start3A_139] : memref<10240x128xf32, #tpu.memory_space<vmem_shared>> -> memref<10240x128xf32, #tpu.memory_space<vmem_shared>>
        tpu.enqueue_indirect_dma source(%arg7 : memref<80x128xf32, #tpu.memory_space<vmem>>) target(%dma_start3A_140 : memref<10240x128xf32, #tpu.memory_space<vmem_shared>>) offsets(%dma_start3A_137 : memref<80xi32, #tpu.memory_space<vmem>>) semaphore(%run_scoped3A_134 : memref<!tpu.dma_semaphore, #tpu.memory_space<semaphore_mem>>) {add = true}
        %dma_wait3A_141 = arith.constant 0 : i32
        %dma_wait3A_142 = tpu.memref_slice %arg10[%mul3A_101, %dma_wait3A_141] : memref<125x80xi32, #tpu.memory_space<vmem>> -> memref<1x80xi32, #tpu.memory_space<vmem>>
        %dma_wait3A_143 = tpu.memref_squeeze %dma_wait3A_142 : memref<1x80xi32, #tpu.memory_space<vmem>> -> memref<80xi32, #tpu.memory_space<vmem>>
        %dma_wait3A_144 = arith.constant 0 : i32
        %dma_wait3A_145 = arith.constant 0 : i32
        %dma_wait3A_146 = tpu.memref_slice %arg11[%dma_wait3A_144, %dma_wait3A_145] : memref<10240x128xf32, #tpu.memory_space<vmem_shared>> -> memref<10240x128xf32, #tpu.memory_space<vmem_shared>>
        tpu.wait_indirect_dma semaphore(%run_scoped3A_134 : memref<!tpu.dma_semaphore, #tpu.memory_space<semaphore_mem>>) src(%arg7 : memref<80x128xf32, #tpu.memory_space<vmem>>) dst(%dma_wait3A_146 : memref<10240x128xf32, #tpu.memory_space<vmem_shared>>)
        tpu.yield
      }) : () -> ()
      %add3A_108 = arith.constant 2 : i32
      %add3A_109 = arith.addi %mul3A_101, %add3A_108 : i32
      %mul3A_110 = arith.constant 80 : i32
      %mul3A_111 = arith.muli %add3A_109, %mul3A_110 : i32
      %dma_start3A_112 = tpu.memref_slice %arg9[%mul3A_111] : memref<10000xi32, #tpu.memory_space<vmem>> -> memref<80xi32, #tpu.memory_space<vmem>>
      %dma_start3A_113 = arith.constant 0 : i32
      %dma_start3A_114 = arith.constant 0 : i32
      %dma_start3A_115 = tpu.memref_slice %arg4[%dma_start3A_113, %dma_start3A_114] : memref<10000x128xf32, #tpu.memory_space<hbm>> -> memref<10000x128xf32, #tpu.memory_space<hbm>>
      tpu.enqueue_indirect_dma source(%dma_start3A_115 : memref<10000x128xf32, #tpu.memory_space<hbm>>) target(%arg7 : memref<80x128xf32, #tpu.memory_space<vmem>>) offsets(%dma_start3A_112 : memref<80xi32, #tpu.memory_space<vmem>>) semaphore(%arg12 : memref<!tpu.dma_semaphore, #tpu.memory_space<semaphore_mem>>)
      %add3A_116 = arith.constant 1 : i32
      %add3A_117 = arith.addi %mul3A_101, %add3A_116 : i32
      %mul3A_118 = arith.constant 80 : i32
      %mul3A_119 = arith.muli %add3A_117, %mul3A_118 : i32
      %dma_wait3A_120 = tpu.memref_slice %arg9[%mul3A_119] : memref<10000xi32, #tpu.memory_space<vmem>> -> memref<80xi32, #tpu.memory_space<vmem>>
      %dma_wait3A_121 = arith.constant 0 : i32
      %dma_wait3A_122 = arith.constant 0 : i32
      %dma_wait3A_123 = tpu.memref_slice %arg4[%dma_wait3A_121, %dma_wait3A_122] : memref<10000x128xf32, #tpu.memory_space<hbm>> -> memref<10000x128xf32, #tpu.memory_space<hbm>>
      tpu.wait_indirect_dma semaphore(%arg13 : memref<!tpu.dma_semaphore, #tpu.memory_space<semaphore_mem>>) src(%dma_wait3A_123 : memref<10000x128xf32, #tpu.memory_space<hbm>>) dst(%arg8 : memref<80x128xf32, #tpu.memory_space<vmem>>)
      %add3A_124 = arith.constant 1 : i32
      %add3A_125 = arith.addi %mul3A_101, %add3A_124 : i32
      "tpu.region"() ({
        %run_scoped3A_134 = tpu.sem_alloc : memref<!tpu.dma_semaphore, #tpu.memory_space<semaphore_mem>>
        %dma_start3A_135 = arith.constant 0 : i32
        %dma_start3A_136 = tpu.memref_slice %arg10[%add3A_125, %dma_start3A_135] : memref<125x80xi32, #tpu.memory_space<vmem>> -> memref<1x80xi32, #tpu.memory_space<vmem>>
        %dma_start3A_137 = tpu.memref_squeeze %dma_start3A_136 : memref<1x80xi32, #tpu.memory_space<vmem>> -> memref<80xi32, #tpu.memory_space<vmem>>
        %dma_start3A_138 = arith.constant 0 : i32
        %dma_start3A_139 = arith.constant 0 : i32
        %dma_start3A_140 = tpu.memref_slice %arg11[%dma_start3A_138, %dma_start3A_139] : memref<10240x128xf32, #tpu.memory_space<vmem_shared>> -> memref<10240x128xf32, #tpu.memory_space<vmem_shared>>
        tpu.enqueue_indirect_dma source(%arg8 : memref<80x128xf32, #tpu.memory_space<vmem>>) target(%dma_start3A_140 : memref<10240x128xf32, #tpu.memory_space<vmem_shared>>) offsets(%dma_start3A_137 : memref<80xi32, #tpu.memory_space<vmem>>) semaphore(%run_scoped3A_134 : memref<!tpu.dma_semaphore, #tpu.memory_space<semaphore_mem>>) {add = true}
        %dma_wait3A_141 = arith.constant 0 : i32
        %dma_wait3A_142 = tpu.memref_slice %arg10[%add3A_125, %dma_wait3A_141] : memref<125x80xi32, #tpu.memory_space<vmem>> -> memref<1x80xi32, #tpu.memory_space<vmem>>
        %dma_wait3A_143 = tpu.memref_squeeze %dma_wait3A_142 : memref<1x80xi32, #tpu.memory_space<vmem>> -> memref<80xi32, #tpu.memory_space<vmem>>
        %dma_wait3A_144 = arith.constant 0 : i32
        %dma_wait3A_145 = arith.constant 0 : i32
        %dma_wait3A_146 = tpu.memref_slice %arg11[%dma_wait3A_144, %dma_wait3A_145] : memref<10240x128xf32, #tpu.memory_space<vmem_shared>> -> memref<10240x128xf32, #tpu.memory_space<vmem_shared>>
        tpu.wait_indirect_dma semaphore(%run_scoped3A_134 : memref<!tpu.dma_semaphore, #tpu.memory_space<semaphore_mem>>) src(%arg8 : memref<80x128xf32, #tpu.memory_space<vmem>>) dst(%dma_wait3A_146 : memref<10240x128xf32, #tpu.memory_space<vmem_shared>>)
        tpu.yield
      }) : () -> ()
      %add3A_126 = arith.constant 3 : i32
      %add3A_127 = arith.addi %mul3A_101, %add3A_126 : i32
      %mul3A_128 = arith.constant 80 : i32
      %mul3A_129 = arith.muli %add3A_127, %mul3A_128 : i32
      %dma_start3A_130 = tpu.memref_slice %arg9[%mul3A_129] : memref<10000xi32, #tpu.memory_space<vmem>> -> memref<80xi32, #tpu.memory_space<vmem>>
      %dma_start3A_131 = arith.constant 0 : i32
      %dma_start3A_132 = arith.constant 0 : i32
      %dma_start3A_133 = tpu.memref_slice %arg4[%dma_start3A_131, %dma_start3A_132] : memref<10000x128xf32, #tpu.memory_space<hbm>> -> memref<10000x128xf32, #tpu.memory_space<hbm>>
      tpu.enqueue_indirect_dma source(%dma_start3A_133 : memref<10000x128xf32, #tpu.memory_space<hbm>>) target(%arg8 : memref<80x128xf32, #tpu.memory_space<vmem>>) offsets(%dma_start3A_130 : memref<80xi32, #tpu.memory_space<vmem>>) semaphore(%arg13 : memref<!tpu.dma_semaphore, #tpu.memory_space<semaphore_mem>>)
    }
    %scan3A_34 = arith.constant 60 : i32
    %dma_wait3A = arith.constant 9600 : i32
    %dma_wait3A_35 = tpu.memref_slice %arg9[%dma_wait3A] : memref<10000xi32, #tpu.memory_space<vmem>> -> memref<80xi32, #tpu.memory_space<vmem>>
    %dma_wait3A_36 = arith.constant 0 : i32
    %dma_wait3A_37 = arith.constant 0 : i32
    %dma_wait3A_38 = tpu.memref_slice %arg4[%dma_wait3A_36, %dma_wait3A_37] : memref<10000x128xf32, #tpu.memory_space<hbm>> -> memref<10000x128xf32, #tpu.memory_space<hbm>>
    tpu.wait_indirect_dma semaphore(%arg12 : memref<!tpu.dma_semaphore, #tpu.memory_space<semaphore_mem>>) src(%dma_wait3A_38 : memref<10000x128xf32, #tpu.memory_space<hbm>>) dst(%arg7 : memref<80x128xf32, #tpu.memory_space<vmem>>)
    %run_scoped3A = arith.constant 120 : i32
    "tpu.region"() ({
      %run_scoped3A_99 = tpu.sem_alloc : memref<!tpu.dma_semaphore, #tpu.memory_space<semaphore_mem>>
      %dma_start3A_100 = arith.constant 0 : i32
      %dma_start3A_101 = tpu.memref_slice %arg10[%run_scoped3A, %dma_start3A_100] : memref<125x80xi32, #tpu.memory_space<vmem>> -> memref<1x80xi32, #tpu.memory_space<vmem>>
      %dma_start3A_102 = tpu.memref_squeeze %dma_start3A_101 : memref<1x80xi32, #tpu.memory_space<vmem>> -> memref<80xi32, #tpu.memory_space<vmem>>
      %dma_start3A_103 = arith.constant 0 : i32
      %dma_start3A_104 = arith.constant 0 : i32
      %dma_start3A_105 = tpu.memref_slice %arg11[%dma_start3A_103, %dma_start3A_104] : memref<10240x128xf32, #tpu.memory_space<vmem_shared>> -> memref<10240x128xf32, #tpu.memory_space<vmem_shared>>
      tpu.enqueue_indirect_dma source(%arg7 : memref<80x128xf32, #tpu.memory_space<vmem>>) target(%dma_start3A_105 : memref<10240x128xf32, #tpu.memory_space<vmem_shared>>) offsets(%dma_start3A_102 : memref<80xi32, #tpu.memory_space<vmem>>) semaphore(%run_scoped3A_99 : memref<!tpu.dma_semaphore, #tpu.memory_space<semaphore_mem>>) {add = true}
      %dma_wait3A_106 = arith.constant 0 : i32
      %dma_wait3A_107 = tpu.memref_slice %arg10[%run_scoped3A, %dma_wait3A_106] : memref<125x80xi32, #tpu.memory_space<vmem>> -> memref<1x80xi32, #tpu.memory_space<vmem>>
      %dma_wait3A_108 = tpu.memref_squeeze %dma_wait3A_107 : memref<1x80xi32, #tpu.memory_space<vmem>> -> memref<80xi32, #tpu.memory_space<vmem>>
      %dma_wait3A_109 = arith.constant 0 : i32
      %dma_wait3A_110 = arith.constant 0 : i32
      %dma_wait3A_111 = tpu.memref_slice %arg11[%dma_wait3A_109, %dma_wait3A_110] : memref<10240x128xf32, #tpu.memory_space<vmem_shared>> -> memref<10240x128xf32, #tpu.memory_space<vmem_shared>>
      tpu.wait_indirect_dma semaphore(%run_scoped3A_99 : memref<!tpu.dma_semaphore, #tpu.memory_space<semaphore_mem>>) src(%arg7 : memref<80x128xf32, #tpu.memory_space<vmem>>) dst(%dma_wait3A_111 : memref<10240x128xf32, #tpu.memory_space<vmem_shared>>)
      tpu.yield
    }) : () -> ()
    %dma_start3A_39 = arith.constant 9760 : i32
    %dma_start3A_40 = tpu.memref_slice %arg9[%dma_start3A_39] : memref<10000xi32, #tpu.memory_space<vmem>> -> memref<80xi32, #tpu.memory_space<vmem>>
    %dma_start3A_41 = arith.constant 0 : i32
    %dma_start3A_42 = arith.constant 0 : i32
    %dma_start3A_43 = tpu.memref_slice %arg4[%dma_start3A_41, %dma_start3A_42] : memref<10000x128xf32, #tpu.memory_space<hbm>> -> memref<10000x128xf32, #tpu.memory_space<hbm>>
    tpu.enqueue_indirect_dma source(%dma_start3A_43 : memref<10000x128xf32, #tpu.memory_space<hbm>>) target(%arg7 : memref<80x128xf32, #tpu.memory_space<vmem>>) offsets(%dma_start3A_40 : memref<80xi32, #tpu.memory_space<vmem>>) semaphore(%arg12 : memref<!tpu.dma_semaphore, #tpu.memory_space<semaphore_mem>>)
    %dma_wait3A_44 = arith.constant 9680 : i32
    %dma_wait3A_45 = tpu.memref_slice %arg9[%dma_wait3A_44] : memref<10000xi32, #tpu.memory_space<vmem>> -> memref<80xi32, #tpu.memory_space<vmem>>
    %dma_wait3A_46 = arith.constant 0 : i32
    %dma_wait3A_47 = arith.constant 0 : i32
    %dma_wait3A_48 = tpu.memref_slice %arg4[%dma_wait3A_46, %dma_wait3A_47] : memref<10000x128xf32, #tpu.memory_space<hbm>> -> memref<10000x128xf32, #tpu.memory_space<hbm>>
    tpu.wait_indirect_dma semaphore(%arg13 : memref<!tpu.dma_semaphore, #tpu.memory_space<semaphore_mem>>) src(%dma_wait3A_48 : memref<10000x128xf32, #tpu.memory_space<hbm>>) dst(%arg8 : memref<80x128xf32, #tpu.memory_space<vmem>>)
    %run_scoped3A_49 = arith.constant 121 : i32
    "tpu.region"() ({
      %run_scoped3A_99 = tpu.sem_alloc : memref<!tpu.dma_semaphore, #tpu.memory_space<semaphore_mem>>
      %dma_start3A_100 = arith.constant 0 : i32
      %dma_start3A_101 = tpu.memref_slice %arg10[%run_scoped3A_49, %dma_start3A_100] : memref<125x80xi32, #tpu.memory_space<vmem>> -> memref<1x80xi32, #tpu.memory_space<vmem>>
      %dma_start3A_102 = tpu.memref_squeeze %dma_start3A_101 : memref<1x80xi32, #tpu.memory_space<vmem>> -> memref<80xi32, #tpu.memory_space<vmem>>
      %dma_start3A_103 = arith.constant 0 : i32
      %dma_start3A_104 = arith.constant 0 : i32
      %dma_start3A_105 = tpu.memref_slice %arg11[%dma_start3A_103, %dma_start3A_104] : memref<10240x128xf32, #tpu.memory_space<vmem_shared>> -> memref<10240x128xf32, #tpu.memory_space<vmem_shared>>
      tpu.enqueue_indirect_dma source(%arg8 : memref<80x128xf32, #tpu.memory_space<vmem>>) target(%dma_start3A_105 : memref<10240x128xf32, #tpu.memory_space<vmem_shared>>) offsets(%dma_start3A_102 : memref<80xi32, #tpu.memory_space<vmem>>) semaphore(%run_scoped3A_99 : memref<!tpu.dma_semaphore, #tpu.memory_space<semaphore_mem>>) {add = true}
      %dma_wait3A_106 = arith.constant 0 : i32
      %dma_wait3A_107 = tpu.memref_slice %arg10[%run_scoped3A_49, %dma_wait3A_106] : memref<125x80xi32, #tpu.memory_space<vmem>> -> memref<1x80xi32, #tpu.memory_space<vmem>>
      %dma_wait3A_108 = tpu.memref_squeeze %dma_wait3A_107 : memref<1x80xi32, #tpu.memory_space<vmem>> -> memref<80xi32, #tpu.memory_space<vmem>>
      %dma_wait3A_109 = arith.constant 0 : i32
      %dma_wait3A_110 = arith.constant 0 : i32
      %dma_wait3A_111 = tpu.memref_slice %arg11[%dma_wait3A_109, %dma_wait3A_110] : memref<10240x128xf32, #tpu.memory_space<vmem_shared>> -> memref<10240x128xf32, #tpu.memory_space<vmem_shared>>
      tpu.wait_indirect_dma semaphore(%run_scoped3A_99 : memref<!tpu.dma_semaphore, #tpu.memory_space<semaphore_mem>>) src(%arg8 : memref<80x128xf32, #tpu.memory_space<vmem>>) dst(%dma_wait3A_111 : memref<10240x128xf32, #tpu.memory_space<vmem_shared>>)
      tpu.yield
    }) : () -> ()
    %dma_start3A_50 = arith.constant 9840 : i32
    %dma_start3A_51 = tpu.memref_slice %arg9[%dma_start3A_50] : memref<10000xi32, #tpu.memory_space<vmem>> -> memref<80xi32, #tpu.memory_space<vmem>>
    %dma_start3A_52 = arith.constant 0 : i32
    %dma_start3A_53 = arith.constant 0 : i32
    %dma_start3A_54 = tpu.memref_slice %arg4[%dma_start3A_52, %dma_start3A_53] : memref<10000x128xf32, #tpu.memory_space<hbm>> -> memref<10000x128xf32, #tpu.memory_space<hbm>>
    tpu.enqueue_indirect_dma source(%dma_start3A_54 : memref<10000x128xf32, #tpu.memory_space<hbm>>) target(%arg8 : memref<80x128xf32, #tpu.memory_space<vmem>>) offsets(%dma_start3A_51 : memref<80xi32, #tpu.memory_space<vmem>>) semaphore(%arg13 : memref<!tpu.dma_semaphore, #tpu.memory_space<semaphore_mem>>)
    %dma_wait3A_55 = arith.constant 9760 : i32
    %dma_wait3A_56 = tpu.memref_slice %arg9[%dma_wait3A_55] : memref<10000xi32, #tpu.memory_space<vmem>> -> memref<80xi32, #tpu.memory_space<vmem>>
    %dma_wait3A_57 = arith.constant 0 : i32
    %dma_wait3A_58 = arith.constant 0 : i32
    %dma_wait3A_59 = tpu.memref_slice %arg4[%dma_wait3A_57, %dma_wait3A_58] : memref<10000x128xf32, #tpu.memory_space<hbm>> -> memref<10000x128xf32, #tpu.memory_space<hbm>>
    tpu.wait_indirect_dma semaphore(%arg12 : memref<!tpu.dma_semaphore, #tpu.memory_space<semaphore_mem>>) src(%dma_wait3A_59 : memref<10000x128xf32, #tpu.memory_space<hbm>>) dst(%arg7 : memref<80x128xf32, #tpu.memory_space<vmem>>)
    %run_scoped3A_60 = arith.constant 122 : i32
    "tpu.region"() ({
      %run_scoped3A_99 = tpu.sem_alloc : memref<!tpu.dma_semaphore, #tpu.memory_space<semaphore_mem>>
      %dma_start3A_100 = arith.constant 0 : i32
      %dma_start3A_101 = tpu.memref_slice %arg10[%run_scoped3A_60, %dma_start3A_100] : memref<125x80xi32, #tpu.memory_space<vmem>> -> memref<1x80xi32, #tpu.memory_space<vmem>>
      %dma_start3A_102 = tpu.memref_squeeze %dma_start3A_101 : memref<1x80xi32, #tpu.memory_space<vmem>> -> memref<80xi32, #tpu.memory_space<vmem>>
      %dma_start3A_103 = arith.constant 0 : i32
      %dma_start3A_104 = arith.constant 0 : i32
      %dma_start3A_105 = tpu.memref_slice %arg11[%dma_start3A_103, %dma_start3A_104] : memref<10240x128xf32, #tpu.memory_space<vmem_shared>> -> memref<10240x128xf32, #tpu.memory_space<vmem_shared>>
      tpu.enqueue_indirect_dma source(%arg7 : memref<80x128xf32, #tpu.memory_space<vmem>>) target(%dma_start3A_105 : memref<10240x128xf32, #tpu.memory_space<vmem_shared>>) offsets(%dma_start3A_102 : memref<80xi32, #tpu.memory_space<vmem>>) semaphore(%run_scoped3A_99 : memref<!tpu.dma_semaphore, #tpu.memory_space<semaphore_mem>>) {add = true}
      %dma_wait3A_106 = arith.constant 0 : i32
      %dma_wait3A_107 = tpu.memref_slice %arg10[%run_scoped3A_60, %dma_wait3A_106] : memref<125x80xi32, #tpu.memory_space<vmem>> -> memref<1x80xi32, #tpu.memory_space<vmem>>
      %dma_wait3A_108 = tpu.memref_squeeze %dma_wait3A_107 : memref<1x80xi32, #tpu.memory_space<vmem>> -> memref<80xi32, #tpu.memory_space<vmem>>
      %dma_wait3A_109 = arith.constant 0 : i32
      %dma_wait3A_110 = arith.constant 0 : i32
      %dma_wait3A_111 = tpu.memref_slice %arg11[%dma_wait3A_109, %dma_wait3A_110] : memref<10240x128xf32, #tpu.memory_space<vmem_shared>> -> memref<10240x128xf32, #tpu.memory_space<vmem_shared>>
      tpu.wait_indirect_dma semaphore(%run_scoped3A_99 : memref<!tpu.dma_semaphore, #tpu.memory_space<semaphore_mem>>) src(%arg7 : memref<80x128xf32, #tpu.memory_space<vmem>>) dst(%dma_wait3A_111 : memref<10240x128xf32, #tpu.memory_space<vmem_shared>>)
      tpu.yield
    }) : () -> ()
    %dma_start3A_61 = arith.constant 9920 : i32
    %dma_start3A_62 = tpu.memref_slice %arg9[%dma_start3A_61] : memref<10000xi32, #tpu.memory_space<vmem>> -> memref<80xi32, #tpu.memory_space<vmem>>
    %dma_start3A_63 = arith.constant 0 : i32
    %dma_start3A_64 = arith.constant 0 : i32
    %dma_start3A_65 = tpu.memref_slice %arg4[%dma_start3A_63, %dma_start3A_64] : memref<10000x128xf32, #tpu.memory_space<hbm>> -> memref<10000x128xf32, #tpu.memory_space<hbm>>
    tpu.enqueue_indirect_dma source(%dma_start3A_65 : memref<10000x128xf32, #tpu.memory_space<hbm>>) target(%arg7 : memref<80x128xf32, #tpu.memory_space<vmem>>) offsets(%dma_start3A_62 : memref<80xi32, #tpu.memory_space<vmem>>) semaphore(%arg12 : memref<!tpu.dma_semaphore, #tpu.memory_space<semaphore_mem>>)
    %dma_wait3A_66 = arith.constant 9840 : i32
    %dma_wait3A_67 = tpu.memref_slice %arg9[%dma_wait3A_66] : memref<10000xi32, #tpu.memory_space<vmem>> -> memref<80xi32, #tpu.memory_space<vmem>>
    %dma_wait3A_68 = arith.constant 0 : i32
    %dma_wait3A_69 = arith.constant 0 : i32
    %dma_wait3A_70 = tpu.memref_slice %arg4[%dma_wait3A_68, %dma_wait3A_69] : memref<10000x128xf32, #tpu.memory_space<hbm>> -> memref<10000x128xf32, #tpu.memory_space<hbm>>
    tpu.wait_indirect_dma semaphore(%arg13 : memref<!tpu.dma_semaphore, #tpu.memory_space<semaphore_mem>>) src(%dma_wait3A_70 : memref<10000x128xf32, #tpu.memory_space<hbm>>) dst(%arg8 : memref<80x128xf32, #tpu.memory_space<vmem>>)
    %run_scoped3A_71 = arith.constant 123 : i32
    "tpu.region"() ({
      %run_scoped3A_99 = tpu.sem_alloc : memref<!tpu.dma_semaphore, #tpu.memory_space<semaphore_mem>>
      %dma_start3A_100 = arith.constant 0 : i32
      %dma_start3A_101 = tpu.memref_slice %arg10[%run_scoped3A_71, %dma_start3A_100] : memref<125x80xi32, #tpu.memory_space<vmem>> -> memref<1x80xi32, #tpu.memory_space<vmem>>
      %dma_start3A_102 = tpu.memref_squeeze %dma_start3A_101 : memref<1x80xi32, #tpu.memory_space<vmem>> -> memref<80xi32, #tpu.memory_space<vmem>>
      %dma_start3A_103 = arith.constant 0 : i32
      %dma_start3A_104 = arith.constant 0 : i32
      %dma_start3A_105 = tpu.memref_slice %arg11[%dma_start3A_103, %dma_start3A_104] : memref<10240x128xf32, #tpu.memory_space<vmem_shared>> -> memref<10240x128xf32, #tpu.memory_space<vmem_shared>>
      tpu.enqueue_indirect_dma source(%arg8 : memref<80x128xf32, #tpu.memory_space<vmem>>) target(%dma_start3A_105 : memref<10240x128xf32, #tpu.memory_space<vmem_shared>>) offsets(%dma_start3A_102 : memref<80xi32, #tpu.memory_space<vmem>>) semaphore(%run_scoped3A_99 : memref<!tpu.dma_semaphore, #tpu.memory_space<semaphore_mem>>) {add = true}
      %dma_wait3A_106 = arith.constant 0 : i32
      %dma_wait3A_107 = tpu.memref_slice %arg10[%run_scoped3A_71, %dma_wait3A_106] : memref<125x80xi32, #tpu.memory_space<vmem>> -> memref<1x80xi32, #tpu.memory_space<vmem>>
      %dma_wait3A_108 = tpu.memref_squeeze %dma_wait3A_107 : memref<1x80xi32, #tpu.memory_space<vmem>> -> memref<80xi32, #tpu.memory_space<vmem>>
      %dma_wait3A_109 = arith.constant 0 : i32
      %dma_wait3A_110 = arith.constant 0 : i32
      %dma_wait3A_111 = tpu.memref_slice %arg11[%dma_wait3A_109, %dma_wait3A_110] : memref<10240x128xf32, #tpu.memory_space<vmem_shared>> -> memref<10240x128xf32, #tpu.memory_space<vmem_shared>>
      tpu.wait_indirect_dma semaphore(%run_scoped3A_99 : memref<!tpu.dma_semaphore, #tpu.memory_space<semaphore_mem>>) src(%arg8 : memref<80x128xf32, #tpu.memory_space<vmem>>) dst(%dma_wait3A_111 : memref<10240x128xf32, #tpu.memory_space<vmem_shared>>)
      tpu.yield
    }) : () -> ()
    %dma_wait3A_72 = arith.constant 9920 : i32
    %dma_wait3A_73 = tpu.memref_slice %arg9[%dma_wait3A_72] : memref<10000xi32, #tpu.memory_space<vmem>> -> memref<80xi32, #tpu.memory_space<vmem>>
    %dma_wait3A_74 = arith.constant 0 : i32
    %dma_wait3A_75 = arith.constant 0 : i32
    %dma_wait3A_76 = tpu.memref_slice %arg4[%dma_wait3A_74, %dma_wait3A_75] : memref<10000x128xf32, #tpu.memory_space<hbm>> -> memref<10000x128xf32, #tpu.memory_space<hbm>>
    tpu.wait_indirect_dma semaphore(%arg12 : memref<!tpu.dma_semaphore, #tpu.memory_space<semaphore_mem>>) src(%dma_wait3A_76 : memref<10000x128xf32, #tpu.memory_space<hbm>>) dst(%arg7 : memref<80x128xf32, #tpu.memory_space<vmem>>)
    %run_scoped3A_77 = arith.constant 124 : i32
    "tpu.region"() ({
      %run_scoped3A_99 = tpu.sem_alloc : memref<!tpu.dma_semaphore, #tpu.memory_space<semaphore_mem>>
      %dma_start3A_100 = arith.constant 0 : i32
      %dma_start3A_101 = tpu.memref_slice %arg10[%run_scoped3A_77, %dma_start3A_100] : memref<125x80xi32, #tpu.memory_space<vmem>> -> memref<1x80xi32, #tpu.memory_space<vmem>>
      %dma_start3A_102 = tpu.memref_squeeze %dma_start3A_101 : memref<1x80xi32, #tpu.memory_space<vmem>> -> memref<80xi32, #tpu.memory_space<vmem>>
      %dma_start3A_103 = arith.constant 0 : i32
      %dma_start3A_104 = arith.constant 0 : i32
      %dma_start3A_105 = tpu.memref_slice %arg11[%dma_start3A_103, %dma_start3A_104] : memref<10240x128xf32, #tpu.memory_space<vmem_shared>> -> memref<10240x128xf32, #tpu.memory_space<vmem_shared>>
      tpu.enqueue_indirect_dma source(%arg7 : memref<80x128xf32, #tpu.memory_space<vmem>>) target(%dma_start3A_105 : memref<10240x128xf32, #tpu.memory_space<vmem_shared>>) offsets(%dma_start3A_102 : memref<80xi32, #tpu.memory_space<vmem>>) semaphore(%run_scoped3A_99 : memref<!tpu.dma_semaphore, #tpu.memory_space<semaphore_mem>>) {add = true}
      %dma_wait3A_106 = arith.constant 0 : i32
      %dma_wait3A_107 = tpu.memref_slice %arg10[%run_scoped3A_77, %dma_wait3A_106] : memref<125x80xi32, #tpu.memory_space<vmem>> -> memref<1x80xi32, #tpu.memory_space<vmem>>
      %dma_wait3A_108 = tpu.memref_squeeze %dma_wait3A_107 : memref<1x80xi32, #tpu.memory_space<vmem>> -> memref<80xi32, #tpu.memory_space<vmem>>
      %dma_wait3A_109 = arith.constant 0 : i32
      %dma_wait3A_110 = arith.constant 0 : i32
      %dma_wait3A_111 = tpu.memref_slice %arg11[%dma_wait3A_109, %dma_wait3A_110] : memref<10240x128xf32, #tpu.memory_space<vmem_shared>> -> memref<10240x128xf32, #tpu.memory_space<vmem_shared>>
      tpu.wait_indirect_dma semaphore(%run_scoped3A_99 : memref<!tpu.dma_semaphore, #tpu.memory_space<semaphore_mem>>) src(%arg7 : memref<80x128xf32, #tpu.memory_space<vmem>>) dst(%dma_wait3A_111 : memref<10240x128xf32, #tpu.memory_space<vmem_shared>>)
      tpu.yield
    }) : () -> ()
    %barrier3A_78 = arith.constant 0 : index
    tpu.barrier barrier_id(%barrier3A_78)
    %mul3A_79 = arith.constant 640 : i32
    %mul3A_80 = arith.muli %arg1, %mul3A_79 : i32
    %add3A_81 = arith.constant 0 : i32
    %add3A_82 = arith.addi %mul3A_80, %add3A_81 : i32
    "tpu.region"() ({
      %run_scoped3A_99 = tpu.sem_alloc : memref<!tpu.dma_semaphore, #tpu.memory_space<semaphore_mem>>
      %dma_start3A_100 = arith.constant 0 : i32
      %dma_start3A_101 = tpu.memref_slice %arg6[%arg0, %add3A_82, %dma_start3A_100] : memref<2x10240x128xf32, #tpu.memory_space<hbm>> -> memref<1x128x128xf32, #tpu.memory_space<hbm>>
      %dma_start3A_102 = tpu.memref_squeeze %dma_start3A_101 : memref<1x128x128xf32, #tpu.memory_space<hbm>> -> memref<128x128xf32, #tpu.memory_space<hbm>>
      %dma_start3A_103 = arith.constant 0 : i32
      %dma_start3A_104 = tpu.memref_slice %arg11[%add3A_82, %dma_start3A_103] : memref<10240x128xf32, #tpu.memory_space<vmem_shared>> -> memref<128x128xf32, #tpu.memory_space<vmem_shared>>
      tpu.enqueue_dma source(%dma_start3A_104 : memref<128x128xf32, #tpu.memory_space<vmem_shared>>) target(%dma_start3A_102 : memref<128x128xf32, #tpu.memory_space<hbm>>) target_semaphore(%run_scoped3A_99 : memref<!tpu.dma_semaphore, #tpu.memory_space<semaphore_mem>>)
      %dma_wait3A_105 = arith.constant 0 : i32
      %dma_wait3A_106 = tpu.memref_slice %arg6[%arg0, %add3A_82, %dma_wait3A_105] : memref<2x10240x128xf32, #tpu.memory_space<hbm>> -> memref<1x128x128xf32, #tpu.memory_space<hbm>>
      %dma_wait3A_107 = tpu.memref_squeeze %dma_wait3A_106 : memref<1x128x128xf32, #tpu.memory_space<hbm>> -> memref<128x128xf32, #tpu.memory_space<hbm>>
      %dma_wait3A_108 = arith.constant 0 : i32
      %dma_wait3A_109 = tpu.memref_slice %arg11[%add3A_82, %dma_wait3A_108] : memref<10240x128xf32, #tpu.memory_space<vmem_shared>> -> memref<128x128xf32, #tpu.memory_space<vmem_shared>>
      tpu.wait_dma2 semaphore(%run_scoped3A_99 : memref<!tpu.dma_semaphore, #tpu.memory_space<semaphore_mem>>) src(%dma_wait3A_109 : memref<128x128xf32, #tpu.memory_space<vmem_shared>>) dst(%dma_wait3A_107 : memref<128x128xf32, #tpu.memory_space<hbm>>)
      tpu.yield
    }) : () -> ()
    %mul3A_83 = arith.constant 640 : i32
    %mul3A_84 = arith.muli %arg1, %mul3A_83 : i32
    %add3A_85 = arith.constant 128 : i32
    %add3A_86 = arith.addi %mul3A_84, %add3A_85 : i32
    "tpu.region"() ({
      %run_scoped3A_99 = tpu.sem_alloc : memref<!tpu.dma_semaphore, #tpu.memory_space<semaphore_mem>>
      %dma_start3A_100 = arith.constant 0 : i32
      %dma_start3A_101 = tpu.memref_slice %arg6[%arg0, %add3A_86, %dma_start3A_100] : memref<2x10240x128xf32, #tpu.memory_space<hbm>> -> memref<1x128x128xf32, #tpu.memory_space<hbm>>
      %dma_start3A_102 = tpu.memref_squeeze %dma_start3A_101 : memref<1x128x128xf32, #tpu.memory_space<hbm>> -> memref<128x128xf32, #tpu.memory_space<hbm>>
      %dma_start3A_103 = arith.constant 0 : i32
      %dma_start3A_104 = tpu.memref_slice %arg11[%add3A_86, %dma_start3A_103] : memref<10240x128xf32, #tpu.memory_space<vmem_shared>> -> memref<128x128xf32, #tpu.memory_space<vmem_shared>>
      tpu.enqueue_dma source(%dma_start3A_104 : memref<128x128xf32, #tpu.memory_space<vmem_shared>>) target(%dma_start3A_102 : memref<128x128xf32, #tpu.memory_space<hbm>>) target_semaphore(%run_scoped3A_99 : memref<!tpu.dma_semaphore, #tpu.memory_space<semaphore_mem>>)
      %dma_wait3A_105 = arith.constant 0 : i32
      %dma_wait3A_106 = tpu.memref_slice %arg6[%arg0, %add3A_86, %dma_wait3A_105] : memref<2x10240x128xf32, #tpu.memory_space<hbm>> -> memref<1x128x128xf32, #tpu.memory_space<hbm>>
      %dma_wait3A_107 = tpu.memref_squeeze %dma_wait3A_106 : memref<1x128x128xf32, #tpu.memory_space<hbm>> -> memref<128x128xf32, #tpu.memory_space<hbm>>
      %dma_wait3A_108 = arith.constant 0 : i32
      %dma_wait3A_109 = tpu.memref_slice %arg11[%add3A_86, %dma_wait3A_108] : memref<10240x128xf32, #tpu.memory_space<vmem_shared>> -> memref<128x128xf32, #tpu.memory_space<vmem_shared>>
      tpu.wait_dma2 semaphore(%run_scoped3A_99 : memref<!tpu.dma_semaphore, #tpu.memory_space<semaphore_mem>>) src(%dma_wait3A_109 : memref<128x128xf32, #tpu.memory_space<vmem_shared>>) dst(%dma_wait3A_107 : memref<128x128xf32, #tpu.memory_space<hbm>>)
      tpu.yield
    }) : () -> ()
    %mul3A_87 = arith.constant 640 : i32
    %mul3A_88 = arith.muli %arg1, %mul3A_87 : i32
    %add3A_89 = arith.constant 256 : i32
    %add3A_90 = arith.addi %mul3A_88, %add3A_89 : i32
    "tpu.region"() ({
      %run_scoped3A_99 = tpu.sem_alloc : memref<!tpu.dma_semaphore, #tpu.memory_space<semaphore_mem>>
      %dma_start3A_100 = arith.constant 0 : i32
      %dma_start3A_101 = tpu.memref_slice %arg6[%arg0, %add3A_90, %dma_start3A_100] : memref<2x10240x128xf32, #tpu.memory_space<hbm>> -> memref<1x128x128xf32, #tpu.memory_space<hbm>>
      %dma_start3A_102 = tpu.memref_squeeze %dma_start3A_101 : memref<1x128x128xf32, #tpu.memory_space<hbm>> -> memref<128x128xf32, #tpu.memory_space<hbm>>
      %dma_start3A_103 = arith.constant 0 : i32
      %dma_start3A_104 = tpu.memref_slice %arg11[%add3A_90, %dma_start3A_103] : memref<10240x128xf32, #tpu.memory_space<vmem_shared>> -> memref<128x128xf32, #tpu.memory_space<vmem_shared>>
      tpu.enqueue_dma source(%dma_start3A_104 : memref<128x128xf32, #tpu.memory_space<vmem_shared>>) target(%dma_start3A_102 : memref<128x128xf32, #tpu.memory_space<hbm>>) target_semaphore(%run_scoped3A_99 : memref<!tpu.dma_semaphore, #tpu.memory_space<semaphore_mem>>)
      %dma_wait3A_105 = arith.constant 0 : i32
      %dma_wait3A_106 = tpu.memref_slice %arg6[%arg0, %add3A_90, %dma_wait3A_105] : memref<2x10240x128xf32, #tpu.memory_space<hbm>> -> memref<1x128x128xf32, #tpu.memory_space<hbm>>
      %dma_wait3A_107 = tpu.memref_squeeze %dma_wait3A_106 : memref<1x128x128xf32, #tpu.memory_space<hbm>> -> memref<128x128xf32, #tpu.memory_space<hbm>>
      %dma_wait3A_108 = arith.constant 0 : i32
      %dma_wait3A_109 = tpu.memref_slice %arg11[%add3A_90, %dma_wait3A_108] : memref<10240x128xf32, #tpu.memory_space<vmem_shared>> -> memref<128x128xf32, #tpu.memory_space<vmem_shared>>
      tpu.wait_dma2 semaphore(%run_scoped3A_99 : memref<!tpu.dma_semaphore, #tpu.memory_space<semaphore_mem>>) src(%dma_wait3A_109 : memref<128x128xf32, #tpu.memory_space<vmem_shared>>) dst(%dma_wait3A_107 : memref<128x128xf32, #tpu.memory_space<hbm>>)
      tpu.yield
    }) : () -> ()
    %mul3A_91 = arith.constant 640 : i32
    %mul3A_92 = arith.muli %arg1, %mul3A_91 : i32
    %add3A_93 = arith.constant 384 : i32
    %add3A_94 = arith.addi %mul3A_92, %add3A_93 : i32
    "tpu.region"() ({
      %run_scoped3A_99 = tpu.sem_alloc : memref<!tpu.dma_semaphore, #tpu.memory_space<semaphore_mem>>
      %dma_start3A_100 = arith.constant 0 : i32
      %dma_start3A_101 = tpu.memref_slice %arg6[%arg0, %add3A_94, %dma_start3A_100] : memref<2x10240x128xf32, #tpu.memory_space<hbm>> -> memref<1x128x128xf32, #tpu.memory_space<hbm>>
      %dma_start3A_102 = tpu.memref_squeeze %dma_start3A_101 : memref<1x128x128xf32, #tpu.memory_space<hbm>> -> memref<128x128xf32, #tpu.memory_space<hbm>>
      %dma_start3A_103 = arith.constant 0 : i32
      %dma_start3A_104 = tpu.memref_slice %arg11[%add3A_94, %dma_start3A_103] : memref<10240x128xf32, #tpu.memory_space<vmem_shared>> -> memref<128x128xf32, #tpu.memory_space<vmem_shared>>
      tpu.enqueue_dma source(%dma_start3A_104 : memref<128x128xf32, #tpu.memory_space<vmem_shared>>) target(%dma_start3A_102 : memref<128x128xf32, #tpu.memory_space<hbm>>) target_semaphore(%run_scoped3A_99 : memref<!tpu.dma_semaphore, #tpu.memory_space<semaphore_mem>>)
      %dma_wait3A_105 = arith.constant 0 : i32
      %dma_wait3A_106 = tpu.memref_slice %arg6[%arg0, %add3A_94, %dma_wait3A_105] : memref<2x10240x128xf32, #tpu.memory_space<hbm>> -> memref<1x128x128xf32, #tpu.memory_space<hbm>>
      %dma_wait3A_107 = tpu.memref_squeeze %dma_wait3A_106 : memref<1x128x128xf32, #tpu.memory_space<hbm>> -> memref<128x128xf32, #tpu.memory_space<hbm>>
      %dma_wait3A_108 = arith.constant 0 : i32
      %dma_wait3A_109 = tpu.memref_slice %arg11[%add3A_94, %dma_wait3A_108] : memref<10240x128xf32, #tpu.memory_space<vmem_shared>> -> memref<128x128xf32, #tpu.memory_space<vmem_shared>>
      tpu.wait_dma2 semaphore(%run_scoped3A_99 : memref<!tpu.dma_semaphore, #tpu.memory_space<semaphore_mem>>) src(%dma_wait3A_109 : memref<128x128xf32, #tpu.memory_space<vmem_shared>>) dst(%dma_wait3A_107 : memref<128x128xf32, #tpu.memory_space<hbm>>)
      tpu.yield
    }) : () -> ()
    %mul3A_95 = arith.constant 640 : i32
    %mul3A_96 = arith.muli %arg1, %mul3A_95 : i32
    %add3A_97 = arith.constant 512 : i32
    %add3A_98 = arith.addi %mul3A_96, %add3A_97 : i32
    "tpu.region"() ({
      %run_scoped3A_99 = tpu.sem_alloc : memref<!tpu.dma_semaphore, #tpu.memory_space<semaphore_mem>>
      %dma_start3A_100 = arith.constant 0 : i32
      %dma_start3A_101 = tpu.memref_slice %arg6[%arg0, %add3A_98, %dma_start3A_100] : memref<2x10240x128xf32, #tpu.memory_space<hbm>> -> memref<1x128x128xf32, #tpu.memory_space<hbm>>
      %dma_start3A_102 = tpu.memref_squeeze %dma_start3A_101 : memref<1x128x128xf32, #tpu.memory_space<hbm>> -> memref<128x128xf32, #tpu.memory_space<hbm>>
      %dma_start3A_103 = arith.constant 0 : i32
      %dma_start3A_104 = tpu.memref_slice %arg11[%add3A_98, %dma_start3A_103] : memref<10240x128xf32, #tpu.memory_space<vmem_shared>> -> memref<128x128xf32, #tpu.memory_space<vmem_shared>>
      tpu.enqueue_dma source(%dma_start3A_104 : memref<128x128xf32, #tpu.memory_space<vmem_shared>>) target(%dma_start3A_102 : memref<128x128xf32, #tpu.memory_space<hbm>>) target_semaphore(%run_scoped3A_99 : memref<!tpu.dma_semaphore, #tpu.memory_space<semaphore_mem>>)
      %dma_wait3A_105 = arith.constant 0 : i32
      %dma_wait3A_106 = tpu.memref_slice %arg6[%arg0, %add3A_98, %dma_wait3A_105] : memref<2x10240x128xf32, #tpu.memory_space<hbm>> -> memref<1x128x128xf32, #tpu.memory_space<hbm>>
      %dma_wait3A_107 = tpu.memref_squeeze %dma_wait3A_106 : memref<1x128x128xf32, #tpu.memory_space<hbm>> -> memref<128x128xf32, #tpu.memory_space<hbm>>
      %dma_wait3A_108 = arith.constant 0 : i32
      %dma_wait3A_109 = tpu.memref_slice %arg11[%add3A_98, %dma_wait3A_108] : memref<10240x128xf32, #tpu.memory_space<vmem_shared>> -> memref<128x128xf32, #tpu.memory_space<vmem_shared>>
      tpu.wait_dma2 semaphore(%run_scoped3A_99 : memref<!tpu.dma_semaphore, #tpu.memory_space<semaphore_mem>>) src(%dma_wait3A_109 : memref<128x128xf32, #tpu.memory_space<vmem_shared>>) dst(%dma_wait3A_107 : memref<128x128xf32, #tpu.memory_space<hbm>>)
      tpu.yield
    }) : () -> ()
    return
  }
}

module attributes {stable_mosaic.version = 14 : i64} {
  func.func @_tc_body(%arg0: i32, %arg1: memref<2x1024x128xf32, #tpu.memory_space<vmem>>, %arg2: memref<128x256xf32, #tpu.memory_space<vmem>>, %arg3: memref<1x256xf32, #tpu.memory_space<vmem>>, %arg4: memref<1024x256xf32, #tpu.memory_space<vmem>>) attributes {dimension_semantics = [#tpu.dimension_semantics<arbitrary>], iteration_bounds = array<i64: 10>, scalar_prefetch = 0 : i64, scratch_operands = 0 : i64, tpu.core_type = #tpu.core_type<tc>, window_params = [{transform_indices = @transform_0, window_bounds = array<i64: 2, 1024, 128>}, {pipeline_mode = #tpu.pipeline_mode<synchronous>, transform_indices = @transform_1, window_bounds = array<i64: 128, 256>}, {pipeline_mode = #tpu.pipeline_mode<synchronous>, transform_indices = @transform_2, window_bounds = array<i64: 1, 256>}, {transform_indices = @transform_3, window_bounds = array<i64: 1024, 256>}]} {
    %get3A = arith.constant 0 : index
    %get3A_0 = arith.constant 0 : index
    %get3A_1 = arith.constant 0 : index
    %get3A_2 = vector.load %arg1[%get3A, %get3A_0, %get3A_1] : memref<2x1024x128xf32, #tpu.memory_space<vmem>>, vector<1x1024x128xf32>
    %get3A_3 = vector.shape_cast %get3A_2 : vector<1x1024x128xf32> to vector<1024x128xf32>
    %get3A_4 = arith.constant 1 : index
    %get3A_5 = arith.constant 0 : index
    %get3A_6 = arith.constant 0 : index
    %get3A_7 = vector.load %arg1[%get3A_4, %get3A_5, %get3A_6] : memref<2x1024x128xf32, #tpu.memory_space<vmem>>, vector<1x1024x128xf32>
    %get3A_8 = vector.shape_cast %get3A_7 : vector<1x1024x128xf32> to vector<1024x128xf32>
    %add3A = arith.addf %get3A_3, %get3A_8 : vector<1024x128xf32>
    %get3A_9 = arith.constant 0 : index
    %get3A_10 = arith.constant 0 : index
    %get3A_11 = vector.load %arg2[%get3A_9, %get3A_10] : memref<128x256xf32, #tpu.memory_space<vmem>>, vector<128x256xf32>
    %dot_general3A = arith.constant dense<0.000000e+00> : vector<1024x256xf32>
    %dot_general3A_12 = tpu.matmul %add3A, %get3A_11, %dot_general3A {dimension_numbers = #tpu.dot_dimension_numbers<[1], [0], [0], [1], [0, 0, 1, 1], [], []>, transpose_lhs_hint = false} : vector<1024x128xf32>, vector<128x256xf32>, vector<1024x256xf32> -> vector<1024x256xf32>
    %get3A_13 = arith.constant 0 : index
    %get3A_14 = arith.constant 0 : index
    %get3A_15 = vector.load %arg3[%get3A_13, %get3A_14] : memref<1x256xf32, #tpu.memory_space<vmem>>, vector<1x256xf32>
    %add3A_16 = vector.broadcast %get3A_15 : vector<1x256xf32> to vector<1024x256xf32>
    %add3A_17 = arith.addf %dot_general3A_12, %add3A_16 : vector<1024x256xf32>
    %max3A = arith.constant 0.000000e+00 : f32
    %max3A_18 = vector.broadcast %max3A : f32 to vector<1024x256xf32>
    %max3A_19 = arith.maximumf %add3A_17, %max3A_18 : vector<1024x256xf32>
    %swap3A = arith.constant 0 : index
    %swap3A_20 = arith.constant 0 : index
    %swap3A_21 = vector.load %arg4[%swap3A, %swap3A_20] : memref<1024x256xf32, #tpu.memory_space<vmem>>, vector<1024x256xf32>
    tpu.vector_store %arg4[%swap3A, %swap3A_20], %max3A_19 {strides = array<i32>} : memref<1024x256xf32, #tpu.memory_space<vmem>>, vector<1024x256xf32>,
    return
  }
  func.func @transform_0(%arg0: i32) -> (i32, i32, i32) {
    %c0_i32 = arith.constant 0 : i32
    %c0_i32_0 = arith.constant 0 : i32
    %c0_i32_1 = arith.constant 0 : i32
    return %c0_i32, %arg0, %c0_i32_0 : i32, i32, i32
  }
  func.func @transform_1(%arg0: i32) -> (i32, i32) {
    %c0_i32 = arith.constant 0 : i32
    %c0_i32_0 = arith.constant 0 : i32
    %c0_i32_1 = arith.constant 0 : i32
    return %c0_i32, %c0_i32_0 : i32, i32
  }
  func.func @transform_2(%arg0: i32) -> (i32, i32) {
    %c0_i32 = arith.constant 0 : i32
    %c0_i32_0 = arith.constant 0 : i32
    %c0_i32_1 = arith.constant 0 : i32
    return %c0_i32, %c0_i32_0 : i32, i32
  }
  func.func @transform_3(%arg0: i32) -> (i32, i32) {
    %c0_i32 = arith.constant 0 : i32
    %c0_i32_0 = arith.constant 0 : i32
    return %arg0, %c0_i32 : i32, i32
  }
}

</mosaic_0001>

<sc_bundles>
// kernel: kernel.4.cloned.1.call-start
scs
__scs_entry_jumppad:
0x0: {  	(pc) =	sbr.rel $0x88, $3  }
0x1: {  	(tag) =	ssettag $0x0;
	lr =	simm.s32 $0x1  }
0x2: {  	[smem:$0x3F9D] =	sst lr;
	_ =	strace $0xD0000000  }
0x3: {  	_ = 	snop  }
0x4: {  	_ = 	snop  }
0x5: {  	_ = 	snop  }
0x6: {  	_ = 	snop  }
0x7: {  	_ = 	snop  }
__scs_overlays_trampoline_lowered:
0x8: {  	[smem:$0x3FAC] =	sst s0  }
0x9: {  	[smem:$0x3FAD] =	sst s1  }
0xa: {  	[smem:$0x3FAE] =	sst s2  }
0xb: {  	[smem:$0x3FAF] =	sst s3  }
0xc: {  	[smem:$0x3FB0] =	sst s4  }
0xd: {  	[smem:$0x3FB1] =	sst s5  }
0xe: {  	[smem:$0x3FB2] =	sst s6  }
0xf: {  	[smem:$0x3FB3] =	sst s7  }
0x10: {  	[smem:$0x3FB4] =	sst s8  }
0x11: {  	[smem:$0x3FB5] =	sst s9;
	s0 =	simm.s32 @!p0 $0x0  }
0x12: {  	s1 =	sld [smem:$0x3F9B];
	s0 =	simm.s32 @p0 $0x1  }
0x13: {  	[smem:$0x3FB6] =	sst s0;
	s0 =	simm.s32 @!p1 $0x0  }
0x14: {  	s2 =	sld [smem:$0x3F9A];
	s0 =	simm.s32 @p1 $0x1  }
0x15: {  	[smem:$0x3FB7] =	sst s0;
	s0 =	simm.s32 @!p2 $0x0  }
0x16: {  	s3 =	sld [smem:$0x3FDB];
	s0 =	simm.s32 @p2 $0x1  }
0x17: {  	s4 =	simm.s32 $0x1BF5;
	[smem:$0x3FB9] =	sst s0  }
0x18: {  	s0 =	sld [smem:$0x3F9C];
	_ =	swait.ge [sflag:s4], $0x0  }
0x19: {  	s7 =	sld [smem:$0x3F9D]  }
0x1a: {  	s8 =	sadd.s32 $0xFFFFE003, lr  }
0x1b: {  	s9 =	sadd.s32 $0xFFFFFEF7, lr;
	s5 =	simm.s32 $0xFFFFFFFF;
	p2 =	slt.u32 s8, $0xFFFFF086  }
0x1c: {  	p1 =	slt.u32 s9, $0xF7A;
	s5 =	simm.s32 @!p2 $0x0  }
0x1d: {  	s5 =	simm.s32 @p1 $0x1;
	p0 =	seq.s32 s7, s2  }
0x1e: {  	s7 =	smul.u32 @!p0 $0xF7A, s2;
	p2 =	seq.s32 @!p0 s5, $0x0  }
0x1f: {  	s9 =	smul.u32 $0xF7A, s1;
	s8 =	simm.s32 @!p0 $0x1BF5;
	p2 =	por !p2, p0  }
0x20: {  	[sflag:s8] =	ssyncset.s32 @!p0 $0xFFFFF086;
	s6 =	sadd.s32 @!p0 s3, s7;
	s7 =	simm.s32 @!p0 $0x108  }
0x21: {  	s3 =	sadd.s32 s3, s9;
	s6 =	sadd.s32 @!p0 $0x88, s6;
	s7 =	simm.s32 @p2 $0x1082  }
0x22: {  	[simem:s7], [sflag:s8] =	dma.local @!p0 [hbm:s6], $0xF7A  }
0x23: {  	s9 =	sor.u32 $0xD0000000, s2;
	s6 =	simm.s32 $0x108;
	_ =	swait.ge @!p0 [sflag:s8], $0x0  }
0x24: {  	s3 =	sadd.s32 $0x88, s3;
	s6 =	simm.s32 @!p1 $0x1082;
	[sflag:s4] =	ssyncset.s32 $0xFFFFF086  }
0x25: {  	[simem:s6], [sflag:s4] =	dma.local [hbm:s3], $0xF7A  }
0x26: {  	[smem:$0x3F9D] =	sst s1;
	(tag) =	ssettag s2;
	_ =	strace s9  }
0x27: {  	s1 =	sld [smem:$0x3FAD]  }
0x28: {  	s2 =	sld [smem:$0x3FAE]  }
0x29: {  	s4 =	sld [smem:$0x3FB0]  }
0x2a: {  	p0 =	seq.s32 s5, $0x0;
	s5 =	sld [smem:$0x3FB1]  }
0x2b: {  	s6 =	sld [smem:$0x3FB2]  }
0x2c: {  	s7 =	sld [smem:$0x3FB3]  }
0x2d: {  	s3 =	simm.s32 $0x108;
	s8 =	sld [smem:$0x3FB4]  }
0x2e: {  	s3 =	simm.s32 @!p0 $0x1082;
	s9 =	sld [smem:$0x3FB5]  }
0x2f: {  	lr =	sadd.s32 s0, s3;
	s0 =	sld [smem:$0x3FAC]  }
0x30: {  	s3 =	sld [smem:$0x3FAF]  }
0x31: {  	[smem:$0x3FB8] =	sst s10  }
0x32: {  	s10 =	sld [smem:$0x3FB6];
	_ =	sdelay $0x3  }
0x33: {  	p0 =	seq.s32 s10, $0x1;
	s10 =	sld [smem:$0x3FB8];
	_ =	sdelay $0x3  }
0x34: {  	[smem:$0x3FB8] =	sst s10  }
0x35: {  	s10 =	sld [smem:$0x3FB7];
	_ =	sdelay $0x3  }
0x36: {  	p1 =	seq.s32 s10, $0x1;
	s10 =	sld [smem:$0x3FB8];
	_ =	sdelay $0x3  }
0x37: {  	[smem:$0x3FB8] =	sst s10  }
0x38: {  	s10 =	sld [smem:$0x3FB9]  }
0x39: {  	_ = 	snop;
	(pc) =	sbr.ind lr, $3  }
0x3a: {  	_ = 	snop  }
0x3b: {  	_ = 	snop  }
0x3c: {  	p2 =	seq.s32 s10, $0x1;
	s10 =	sld [smem:$0x3FB8]  }
0x3d: {  	_ =	shalt  }
0x3e: {  	_ =	shalt  }
0x3f: {  	_ =	shalt  }
0x40: {  	_ =	shalt  }
0x41: {  	_ =	shalt  }
0x42: {  	_ =	shalt  }
0x43: {  	_ =	shalt  }
0x44: {  	_ =	shalt  }
0x45: {  	_ =	shalt  }
0x46: {  	_ =	shalt  }
0x47: {  	_ =	shalt  }
0x48: {  	_ =	shalt  }
0x49: {  	_ =	shalt  }
0x4a: {  	_ =	shalt  }
0x4b: {  	_ =	shalt  }
0x4c: {  	_ =	shalt  }
0x4d: {  	_ =	shalt  }
0x4e: {  	_ =	shalt  }
0x4f: {  	_ =	shalt  }
0x50: {  	_ =	shalt  }
0x51: {  	_ =	shalt  }
0x52: {  	_ =	shalt  }
0x53: {  	_ =	shalt  }
0x54: {  	_ =	shalt  }
0x55: {  	_ =	shalt  }
0x56: {  	_ =	shalt  }
0x57: {  	_ =	shalt  }
0x58: {  	_ =	shalt  }
0x59: {  	_ =	shalt  }
0x5a: {  	_ =	shalt  }
0x5b: {  	_ =	shalt  }
0x5c: {  	_ =	shalt  }
0x5d: {  	_ =	shalt  }
0x5e: {  	_ =	shalt  }
0x5f: {  	_ =	shalt  }
0x60: {  	_ =	shalt  }
0x61: {  	_ =	shalt  }
0x62: {  	_ =	shalt  }
0x63: {  	_ =	shalt  }
0x64: {  	_ =	shalt  }
0x65: {  	_ =	shalt  }
0x66: {  	_ =	shalt  }
0x67: {  	_ =	shalt  }
0x68: {  	_ =	shalt  }
0x69: {  	_ =	shalt  }
0x6a: {  	_ =	shalt  }
0x6b: {  	_ =	shalt  }
0x6c: {  	_ =	shalt  }
0x6d: {  	_ =	shalt  }
0x6e: {  	_ =	shalt  }
0x6f: {  	_ =	shalt  }
0x70: {  	_ =	shalt  }
0x71: {  	_ =	shalt  }
0x72: {  	_ =	shalt  }
0x73: {  	_ =	shalt  }
0x74: {  	_ =	shalt  }
0x75: {  	_ =	shalt  }
0x76: {  	_ =	shalt  }
0x77: {  	_ =	shalt  }
0x78: {  	_ =	shalt  }
0x79: {  	_ =	shalt  }
0x7a: {  	_ =	shalt  }
0x7b: {  	_ =	shalt  }
0x7c: {  	_ =	shalt  }
0x7d: {  	_ =	shalt  }
0x7e: {  	_ =	shalt  }
0x7f: {  	_ =	shalt  }
0x80: {  	_ =	shalt  }
0x81: {  	_ =	shalt  }
0x82: {  	_ =	shalt  }
0x83: {  	_ =	shalt  }
0x84: {  	_ =	shalt  }
0x85: {  	_ =	shalt  }
0x86: {  	_ =	shalt  }
0x87: {  	_ =	shalt  }
.Lfunc_end0:
.L_simem_size_0:
called_computation_lowered:
.L_overlay_start_0:
0x88: {  	s2 =	sld [smem:$0x3FD9]  }
0x89: {  	s3 =	sld [smem:$0x3FFE];
	_ =	sdelay $0x1  }
0x8a: {  	s1 =	srdreg.scid  }
0x8b: {  	s0 =	sand.u32 $0x1, s1  }
0x8c: {  	s17 =	sshll.u32 s0, $0xA;
	s2 =	sadd.s32 s3, s2  }
0x8d: {  	s2 =	sadd.s32 s2, s17  }
0x8e: {  	[smem:$0x3FC4] =	sst s2  }
0x8f: {  	_ = 	snop  }
0x90: {  	s2 =	sld [smem:$0x3FC9]  }
0x91: {  	s18 =	sld [smem:$0x3FD0];
	(tm) =	ssettm $0x1  }
0x92: {  	s4 =	sld [smem:$0x3FFB];
	_ =	sdelay $0x3  }
0x93: {  	_ =	strace s4  }
0x94: {  	s4 =	sld [smem:$0x3FFC];
	_ =	sdelay $0x3  }
0x95: {  	_ =	strace s4  }
0x96: {  	s4 =	sld [smem:$0x3FFD];
	_ =	sdelay $0x3  }
0x97: {  	_ =	strace s4  }
0x98: {  	_ =	strace $0x8FFFFFFF  }
0x99: {  	s19 =	sld [smem:$0x3FDB];
	_ =	sdelay $0x1  }
0x9a: {  	s5 =	simm.s32 $_scs_section_size  }
0x9b: {  	s6 =	simm.s32 $_size__tile_overlayer_lowered;
	s7 =	simm.s32 $_tile_overlayer_lowered  }
0x9c: {  	s22 =	simm.s32 $0x1BFF;
	s21 =	sshll.u32 s7, $0x1;
	s4 =	sadd.s32 s5, s19  }
0x9d: {  	s8 =	simm.s32 $0x0;
	s20 =	sshll.u32 s6, $0x1;
	s6 =	sadd.s32 s21, s4  }
0x9e: {  	[timem:s8], [sflag:s22] =	dma.local [hbm:s6], s20  }
0x9f: {  	_ =	swait.ge [sflag:s22], s20  }
0xa0: {  	s5 =	ssub.s32 $0x0, s20;
	[sflag:s22] =	ssyncset.done $0x0  }
0xa1: {  	[sflag:s22] =	ssyncadd.s32 s5;
	_ =	sdelay $0x1  }
0xa2: {  	s23 =	simm.s32 $0x1B8B  }
0xa3: {  	_ =	swait.ge [sflag:s23], $0x1  }
0xa4: {  	[sflag:s23] =	ssyncset.done $0x0  }
0xa5: {  	s25 =	simm.s32 $0x1B8E;
	s24 =	sld [smem:$0x3FFE];
	[sflag:s23] =	ssyncadd.s32 $0xFFFFFFFF  }
0xa6: {  	s26 =	simm.s32 $execute0_lowered;
	[smem:$0x3FD2] =	sst s25  }
0xa7: {  	s6 =	sshll.u32 s26, $0x1;
	_ =	strace $0x80000046;
	[dreg:$0x1] =	wrdreg $0xFFFFFFFF  }
0xa8: {  	s28 =	simm.s32 $_size_execute0_lowered;
	s4 =	sadd.s32 s4, s6;
	[dreg:$0x0] =	wrdreg $0x0  }
0xa9: {  	s6 =	sshll.u32 s28, $0x1;
	[dreg:$0x2] =	wrdreg s4  }
0xaa: {  	[dreg:$0x3] =	wrdreg s6  }
0xab: {  	[dreg:$0x4] =	wrdreg $0xC0  }
0xac: {  	_ =	task [dreg:s8], $0x5FFFF  }
0xad: {  	[dreg:$0x1] =	wrdreg $0xFFFFFFFF  }
0xae: {  	[dreg:$0x0] =	wrdreg $0x60  }
0xaf: {  	[dreg:$0x2] =	wrdreg s24  }
0xb0: {  	[dreg:$0x3] =	wrdreg s18  }
0xb1: {  	[dreg:$0x4] =	wrdreg s2  }
0xb2: {  	[dreg:$0x5] =	wrdreg $0xB7800  }
0xb3: {  	[dreg:$0x6] =	wrdreg $0x9  }
0xb4: {  	_ =	task.clear_ibuf [dreg:s8], $0x7FFFF;
	_ =	strace $0x90000046  }
0xb5: {  	s29 =	simm.s32 $0x9;
	_ =	strace $0x80000048  }
0xb6: {  	_ =	swait.ge [sflag:s29], $0x1  }
0xb7: {  	[sflag:s29] =	ssyncadd.s32 $0xFFFFFFFF  }
0xb8: {  	_ =	strace $0x90000048  }
0xb9: {  	_ =	sfence  }
0xba: {  	s30 =	sld [smem:$0x0];
	_ =	sdelay $0x2  }
0xbb: {  	s31 =	sshll.u32 s1, $0xD;
	s1 =	sshrl.u32 s1, $0x2  }
0xbc: {  	s3 =	sand.u32 $0x4000, s31;
	s1 =	sadd.s32 s1, s30  }
0xbd: {  	s0 =	sor.u32 s3, s0;
	s1 =	sshll.u32 s1, $0x11  }
0xbe: {  	s0 =	sor.u32 s1, s0  }
0xbf: {  	s0 =	sadd.s32 $0x8F2B, s0  }
0xc0: {  	[sflag:s0] =	ssyncadd.remote.s32 $0x1  }
0xc1: {  	_ =	sfence.sel $0xFFFF  }
0xc2: {  	[dreg:$0x0] =	wrdreg $0xFFFFFFFF;
	(pc) =	sbr.abs _section_cstart, $3  }
0xc3: {  	[dreg:$0x1] =	wrdreg $0xFFFFFFFF  }
0xc4: {  	_ =	task.clear_ibuf [dreg:s8], $0x2FFFF;
	_ =	strace $0x9FFFFFFF  }
0xc5: {  	(tm) =	ssettm $0x7FFFFFFF  }
tec
execute0_lowered:
.L_overlay_start_1:
0x0: {  	(tag) =	ssettag $0x1  }
0x1: {  	s0 =	srdreg.scid;
	s1 =	rddreg [dreg:$0x0]  }
0x2: {  	s12 =	stileid.u32;
	s6 =	rddreg [dreg:$0x1]  }
0x3: {  	s3 =	rddreg [dreg:$0x3];
	s28 =	simm.s32 $0x1;
	s29 =	simm.s32 $0x2  }
0x4: {  	s30 =	simm.s32 $0x0;
	s0 =	sand.u32 $0x1, s0;
	s8 =	sshll.u32 s12, $0x7  }
0x5: {  	s11 =	smul.u32 $0x50000, s12;
	s2 =	sshll.u32 s0, $0x4;
	s8 =	sand.u32 $0x380, s8  }
0x6: {  	s9 =	ssub.s32 $0x2, s0;
	s0 =	smul.u32 $0x140000, s0;
	s7 =	sor.u32 s12, s2  }
0x7: {  	s2 =	rddreg [dreg:$0x2];
	s10 =	sshrl.u32 s9, $0x1;
	s12 =	smul.u32 $0x14000, s12  }
0x8: {  	s22 =	sshrl.u32 s11, $0x2;
	s4 =	sshrl.u32 s7, $0x3;
	s18 =	ssub.s32 s9, s10  }
0x9: {  	s7 =	sshll.u32 s7, $0xB;
	s5 =	smul.u32 $0x13C00, s4;
	s4 =	simm.s32 $0x0  }
0xa: {  	s6 =	sadd.s32 s6, s7;
	s23 =	sadd.s32 $0x4000, s12;
	s25 =	sadd.s32 $0x8000, s12  }
0xb: {  	s15 =	sadd.s32 $0xC000, s12;
	s13 =	sadd.s32 s12, s0;
	s16 =	sadd.s32 $0x10000, s12  }
0xc: {  	s18 =	smax.u32 s18, $0x1;
	[smem:$0x7FF] =	sst s4;
	s24 =	sadd.s32 s23, s3  }
0xd: {  	s10 =	sadd.s32 s25, s3;
	s11 =	sadd.s32 s15, s3;
	s13 =	sshrl.u32 s13, $0x3  }
0xe: {  	s12 =	sadd.s32 s16, s3;
	s26 =	sadd.s32 s0, s25;
	s31 =	sadd.s32 s0, s15  }
0xf: {  	s5 =	sor.u32 s8, s5;
	_ =	strace $0x80000047;
	[dreg:$0x6] =	wrdreg s6  }
0x10: {  	s6 =	sadd.s32 s22, s3;
	[dreg:$0x8] =	wrdreg s24;
	s7 =	sshrl.u32 s31, $0x3  }
0x11: {  	s22 =	simm.s32 $0x3;
	s24 =	simm.s32 $0x50;
	s5 =	sshrl.u32 s5, $0x3  }
0x12: {  	[dreg:$0x7] =	wrdreg s6;
	s6 =	sadd.s32 s0, s23;
	s0 =	sadd.s32 s0, s16  }
0x13: {  	s21 =	sadd.s32 s5, s1;
	s5 =	sadd.s32 $0xA000, s1;
	s1 =	sadd.s32 $0xA800, s1  }
0x14: {  	s6 =	sshrl.u32 s6, $0x3;
	s0 =	sshrl.u32 s0, $0x3;
	s8 =	sadd.s32 $0x200, s21  }
0x15: {  	s13 =	sadd.s32 s1, s13;
	s14 =	sadd.s32 s1, s6;
	s6 =	sshrl.u32 s26, $0x3  }
0x16: {  	s16 =	sadd.s32 s1, s7;
	s17 =	sadd.s32 s1, s0;
	s21 =	simm.s32 $0x5000  }
0x17: {  	s26 =	simm.s32 $0x2800;
	[dreg:$0x5] =	wrdreg s8;
	s15 =	sadd.s32 s1, s6  }
.LBB2_1:
0x18: {  	s0 =	rddreg [dreg:$0x5];
	s1 =	simm.s32 $0x80;
	s6 =	simm.s32 $0x400  }
0x19: {  	[tilespmem:s21], [sflag:$0x3] =	stream.strided.gather [hbm4b:s0+s1], $0x2780, s6, s1, $0x38;
	[tilespmem:$0x1F780] =	vst v63  }
0x1a: {  	_ =	swait.ge [sflag:s22], $0x2780  }
0x1b: {  	[sflag:s22] =	ssyncset.done $0x0  }
0x1c: {  	s23 =	simm.s32 $0x7780;
	s20 =	rddreg [dreg:$0x6];
	[sflag:s22] =	ssyncadd.s32 $0xFFFFD880  }
0x1d: {  	[tilespmem:s23], [sflag:$0x3] =	stream.linear.gather [hbm4b:s20+s4], $0x3E80, $0x38;
	[tilespmem:$0x1F780] =	vst v63  }
0x1e: {  	s25 =	stileid.u32;
	_ =	swait.ge [sflag:s22], $0x3E80  }
0x1f: {  	s0 =	sshll.u32 s25, $0x6;
	[sflag:s22] =	ssyncset.done $0x0;
	s1 =	rddreg [dreg:$0x7]  }
0x20: {  	s31 =	sor.u32 $0x1C03, s0;
	[sflag:s22] =	ssyncadd.s32 $0xFFFFC180;
	s1 =	sshrl.u32 s1, $0x3  }
0x21: {  	[spmem:s1], [sflag:s31] =	dma.local [hbm:s5], $0x800  }
0x22: {  	_ =	swait.ge [sflag:s22], $0x800  }
0x23: {  	[sflag:s22] =	ssyncset.done $0x0;
	s6 =	rddreg [dreg:$0x8]  }
0x24: {  	[sflag:s22] =	ssyncadd.s32 $0xFFFFF800;
	s0 =	sshrl.u32 s6, $0x3  }
0x25: {  	[spmem:s0], [sflag:s31] =	dma.local [hbm:s5], $0x800  }
0x26: {  	_ =	swait.ge [sflag:s22], $0x800  }
0x27: {  	[sflag:s22] =	ssyncset.done $0x0  }
0x28: {  	s19 =	sshrl.u32 s10, $0x3;
	[sflag:s22] =	ssyncadd.s32 $0xFFFFF800  }
0x29: {  	[spmem:s19], [sflag:s31] =	dma.local [hbm:s5], $0x800  }
0x2a: {  	_ =	swait.ge [sflag:s22], $0x800  }
0x2b: {  	[sflag:s22] =	ssyncset.done $0x0  }
0x2c: {  	s20 =	sshrl.u32 s11, $0x3;
	[sflag:s22] =	ssyncadd.s32 $0xFFFFF800  }
0x2d: {  	[spmem:s20], [sflag:s31] =	dma.local [hbm:s5], $0x800  }
0x2e: {  	_ =	swait.ge [sflag:s22], $0x800  }
0x2f: {  	[sflag:s22] =	ssyncset.done $0x0  }
0x30: {  	s23 =	sshrl.u32 s12, $0x3;
	[sflag:s22] =	ssyncadd.s32 $0xFFFFF800  }
0x31: {  	[spmem:s23], [sflag:s31] =	dma.local [hbm:s5], $0x800  }
0x32: {  	_ =	swait.ge [sflag:s22], $0x800  }
0x33: {  	[sflag:s22] =	ssyncset.done $0x0  }
0x34: {  	[sflag:s22] =	ssyncadd.s32 $0xFFFFF800  }
0x35: {  	[bflag:$0x0] =	sbarrier.arrive $0xFFFF  }
0x36: {  	[tilespmem:s4], [sflag:$0x1] =	stream.indirect.gather [hbm4b:s2+s24], $0x80, s21, s24, $0xb8;
	[tilespmem:$0x1F780] =	vst v63  }
0x37: {  	s7 =	simm.s32 $0x5050  }
0x38: {  	[tilespmem:s26], [sflag:$0x2] =	stream.indirect.gather [hbm4b:s2+s24], $0x80, s7, s24, $0xb8;
	[tilespmem:$0x1F780] =	vst v63  }
0x39: {  	_ =	swait.ge [sflag:s28], $0x2800  }
0x3a: {  	[sflag:s28] =	ssyncset.done $0x0  }
0x3b: {  	s8 =	simm.s32 $0x7780;
	[sflag:s28] =	ssyncadd.s32 $0xFFFFD800  }
0x3c: {  	[spmem:s3] =	stream.indirect.scatter.add.f32 [tilespmem:s4], [sflag:$0x3], $0x80, s8, s24, $0xb8;
	[tilespmem:$0x1F780] =	vst v63  }
0x3d: {  	_ =	swait.ge [sflag:s22], $0x2800  }
0x3e: {  	[sflag:s22] =	ssyncset.done $0x0  }
0x3f: {  	s9 =	simm.s32 $0x50A0;
	[sflag:s22] =	ssyncadd.s32 $0xFFFFD800  }
0x40: {  	[tilespmem:s4], [sflag:$0x1] =	stream.indirect.gather [hbm4b:s2+s24], $0x80, s9, s24, $0xb8;
	[tilespmem:$0x1F780] =	vst v63  }
0x41: {  	_ =	swait.ge [sflag:s29], $0x2800  }
0x42: {  	[sflag:s29] =	ssyncset.done $0x0  }
0x43: {  	s25 =	simm.s32 $0x7800;
	[sflag:s29] =	ssyncadd.s32 $0xFFFFD800  }
0x44: {  	[spmem:s3] =	stream.indirect.scatter.add.f32 [tilespmem:s26], [sflag:$0x3], $0x80, s25, s24, $0xb8;
	[tilespmem:$0x1F780] =	vst v63  }
0x45: {  	_ =	swait.ge [sflag:s22], $0x2800  }
0x46: {  	s6 =	simm.s32 $0x400;
	[sflag:s22] =	ssyncset.done $0x0  }
0x47: {  	s7 =	simm.s32 $0x5190;
	s25 =	simm.s32 $0x50F0;
	[sflag:s22] =	ssyncadd.s32 $0xFFFFD800  }
.LBB2_2:
0x48: {  	[tilespmem:s26], [sflag:$0x2] =	stream.indirect.gather [hbm4b:s2+s24], $0x80, s25, s24, $0xb8;
	[tilespmem:$0x1F780] =	vst v63  }
0x49: {  	s8 =	smov.u32 s6;
	s25 =	smov.u32 s7  }
0x4a: {  	p0 =	sne.s32 s6, $0xEC00;
	s6 =	sadd.s32 $0x400, s6;
	_ =	swait.ge [sflag:s28], $0x2800  }
0x4b: {  	s8 =	sshra.s32 s8, $0x2;
	[sflag:s28] =	ssyncset.done $0x0  }
0x4c: {  	s9 =	sadd.s32 $0x7780, s8;
	[sflag:s28] =	ssyncadd.s32 $0xFFFFD800  }
0x4d: {  	[spmem:s3] =	stream.indirect.scatter.add.f32 [tilespmem:s4], [sflag:$0x3], $0x80, s9, s24, $0xb8;
	[tilespmem:$0x1F780] =	vst v63  }
0x4e: {  	_ =	swait.ge [sflag:s22], $0x2800  }
0x4f: {  	[sflag:s22] =	ssyncset.done $0x0  }
0x50: {  	s9 =	sadd.s32 $0xFFFFFFB0, s7;
	[sflag:s22] =	ssyncadd.s32 $0xFFFFD800  }
0x51: {  	[tilespmem:s4], [sflag:$0x1] =	stream.indirect.gather [hbm4b:s2+s24], $0x80, s9, s24, $0xb8;
	[tilespmem:$0x1F780] =	vst v63  }
0x52: {  	_ =	swait.ge [sflag:s29], $0x2800  }
0x53: {  	[sflag:s29] =	ssyncset.done $0x0  }
.Ltmp0:
0x54: {  	s8 =	sadd.s32 $0x7800, s8;
	[sflag:s29] =	ssyncadd.s32 $0xFFFFD800;
	(pc) =	sbr.rel @p0 .LBB2_2-.Ltmp0, $4  }
0x55: {  	[spmem:s3] =	stream.indirect.scatter.add.f32 [tilespmem:s26], [sflag:$0x3], $0x80, s8, s24, $0xb8;
	[tilespmem:$0x1F780] =	vst v63  }
0x56: {  	_ =	swait.ge [sflag:s22], $0x2800  }
0x57: {  	[sflag:s22] =	ssyncset.done $0x0  }
0x58: {  	s7 =	sadd.s32 $0xA0, s7;
	[sflag:s22] =	ssyncadd.s32 $0xFFFFD800  }
0x59: {  	[tilespmem:s26], [sflag:$0x2] =	stream.indirect.gather [hbm4b:s2+s24], $0x80, s25, s24, $0xb8;
	[tilespmem:$0x1F780] =	vst v63  }
0x5a: {  	_ =	swait.ge [sflag:s28], $0x2800  }
0x5b: {  	[sflag:s28] =	ssyncset.done $0x0  }
0x5c: {  	s6 =	simm.s32 $0xB380;
	[sflag:s28] =	ssyncadd.s32 $0xFFFFD800  }
0x5d: {  	[spmem:s3] =	stream.indirect.scatter.add.f32 [tilespmem:s4], [sflag:$0x3], $0x80, s6, s24, $0xb8;
	[tilespmem:$0x1F780] =	vst v63  }
0x5e: {  	_ =	swait.ge [sflag:s22], $0x2800  }
0x5f: {  	[sflag:s22] =	ssyncset.done $0x0  }
0x60: {  	s8 =	simm.s32 $0x7620;
	[sflag:s22] =	ssyncadd.s32 $0xFFFFD800  }
0x61: {  	[tilespmem:s4], [sflag:$0x1] =	stream.indirect.gather [hbm4b:s2+s24], $0x80, s8, s24, $0xb8;
	[tilespmem:$0x1F780] =	vst v63  }
0x62: {  	_ =	swait.ge [sflag:s29], $0x2800  }
0x63: {  	[sflag:s29] =	ssyncset.done $0x0  }
0x64: {  	s9 =	simm.s32 $0xB400;
	[sflag:s29] =	ssyncadd.s32 $0xFFFFD800  }
0x65: {  	[spmem:s3] =	stream.indirect.scatter.add.f32 [tilespmem:s26], [sflag:$0x3], $0x80, s9, s24, $0xb8;
	[tilespmem:$0x1F780] =	vst v63  }
0x66: {  	_ =	swait.ge [sflag:s22], $0x2800  }
0x67: {  	[sflag:s22] =	ssyncset.done $0x0  }
0x68: {  	s25 =	simm.s32 $0x7670;
	[sflag:s22] =	ssyncadd.s32 $0xFFFFD800  }
0x69: {  	[tilespmem:s26], [sflag:$0x2] =	stream.indirect.gather [hbm4b:s2+s24], $0x80, s25, s24, $0xb8;
	[tilespmem:$0x1F780] =	vst v63  }
0x6a: {  	_ =	swait.ge [sflag:s28], $0x2800  }
0x6b: {  	[sflag:s28] =	ssyncset.done $0x0  }
0x6c: {  	s7 =	simm.s32 $0xB480;
	[sflag:s28] =	ssyncadd.s32 $0xFFFFD800  }
0x6d: {  	[spmem:s3] =	stream.indirect.scatter.add.f32 [tilespmem:s4], [sflag:$0x3], $0x80, s7, s24, $0xb8;
	[tilespmem:$0x1F780] =	vst v63  }
0x6e: {  	_ =	swait.ge [sflag:s22], $0x2800  }
0x6f: {  	[sflag:s22] =	ssyncset.done $0x0  }
0x70: {  	s8 =	simm.s32 $0x76C0;
	[sflag:s22] =	ssyncadd.s32 $0xFFFFD800  }
0x71: {  	[tilespmem:s4], [sflag:$0x1] =	stream.indirect.gather [hbm4b:s2+s24], $0x80, s8, s24, $0xb8;
	[tilespmem:$0x1F780] =	vst v63  }
0x72: {  	_ =	swait.ge [sflag:s29], $0x2800  }
0x73: {  	[sflag:s29] =	ssyncset.done $0x0  }
0x74: {  	s9 =	simm.s32 $0xB500;
	[sflag:s29] =	ssyncadd.s32 $0xFFFFD800  }
0x75: {  	[spmem:s3] =	stream.indirect.scatter.add.f32 [tilespmem:s26], [sflag:$0x3], $0x80, s9, s24, $0xb8;
	[tilespmem:$0x1F780] =	vst v63  }
0x76: {  	_ =	swait.ge [sflag:s22], $0x2800  }
0x77: {  	[sflag:s22] =	ssyncset.done $0x0  }
0x78: {  	[sflag:s22] =	ssyncadd.s32 $0xFFFFD800  }
0x79: {  	_ =	swait.ge [sflag:s28], $0x2800  }
0x7a: {  	[sflag:s28] =	ssyncset.done $0x0  }
0x7b: {  	s25 =	simm.s32 $0xB580;
	[sflag:s28] =	ssyncadd.s32 $0xFFFFD800  }
0x7c: {  	[spmem:s3] =	stream.indirect.scatter.add.f32 [tilespmem:s4], [sflag:$0x3], $0x80, s25, s24, $0xb8;
	[tilespmem:$0x1F780] =	vst v63  }
0x7d: {  	_ =	swait.ge [sflag:s22], $0x2800  }
0x7e: {  	[sflag:s22] =	ssyncset.done $0x0  }
0x7f: {  	[sflag:s22] =	ssyncadd.s32 $0xFFFFD800  }
0x80: {  	[bflag:$0x0] =	sbarrier.arrive $0xFFFF  }
0x81: {  	[hbm:s13], [sflag:s31] =	dma.local [spmem:s1], $0x800  }
0x82: {  	_ =	swait.ge [sflag:s22], $0x800  }
0x83: {  	[sflag:s22] =	ssyncset.done $0x0  }
0x84: {  	[sflag:s22] =	ssyncadd.s32 $0xFFFFF800  }
0x85: {  	[hbm:s14], [sflag:s31] =	dma.local [spmem:s0], $0x800  }
0x86: {  	_ =	swait.ge [sflag:s22], $0x800  }
0x87: {  	[sflag:s22] =	ssyncset.done $0x0  }
0x88: {  	[sflag:s22] =	ssyncadd.s32 $0xFFFFF800  }
0x89: {  	[hbm:s15], [sflag:s31] =	dma.local [spmem:s19], $0x800  }
0x8a: {  	_ =	swait.ge [sflag:s22], $0x800  }
0x8b: {  	[sflag:s22] =	ssyncset.done $0x0  }
0x8c: {  	[sflag:s22] =	ssyncadd.s32 $0xFFFFF800  }
0x8d: {  	[hbm:s16], [sflag:s31] =	dma.local [spmem:s20], $0x800  }
0x8e: {  	s30 =	sadd.s32 $0x1, s30;
	_ =	swait.ge [sflag:s22], $0x800  }
0x8f: {  	p0 =	sne.s32 s30, s18;
	[sflag:s22] =	ssyncset.done $0x0  }
.Ltmp1:
0x90: {  	[sflag:s22] =	ssyncadd.s32 $0xFFFFF800;
	(pc) =	sbr.rel @p0 .LBB2_1-.Ltmp1, $4  }
0x91: {  	[hbm:s17], [sflag:s31] =	dma.local [spmem:s23], $0x800  }
0x92: {  	_ =	swait.ge [sflag:s22], $0x800  }
0x93: {  	[sflag:s22] =	ssyncset.done $0x0  }
0x94: {  	[sflag:s22] =	ssyncadd.s32 $0xFFFFF800  }
0x95: {  	_ =	sfence.sel $0x180000  }
0x96: {  	[bflag:$0x0] =	sbarrier.arrive $0xFFFF  }
0x97: {  	_ =	strace $0x90000047  }
0x98: {  	s0 =	stileid.u32;
	[bflag:$0x2] =	sbarrier.arrive $0xFFFF  }
0x99: {  	p0 =	sne.s32 s0, $0x0;
	s0 =	rddreg [dreg:$0x4]  }
0x9a: {  	s0 =	sadd.s32 @!p0 $0x100000, s0  }
0x9b: {  	[sflag:s0] =	ssyncadd.tile.s32 @!p0 $0x1;
	_ =	shalt  }
.Lfunc_end2:
_tile_overlayer_lowered:
.L_overlay_start_2:
0x9c: {  	(tag) =	ssettag $0x2  }
0x9d: {  	s0 =	rddreg [dreg:$0x0];
	s2 =	stileid.u32  }
0x9e: {  	s1 =	rddreg [dreg:$0x1];
	p0 =	sne.s32 s2, $0x0  }
0x9f: {  	s3 =	rddreg [dreg:$0x2];
	[bflag:$0x3] =	sbarrier.arrive $0xFFFF;
	s2 =	simm.s32 @!p0 $0x1C03  }
0xa0: {  	[timem:s3], [sflag:s2] =	dma.local @!p0 [hbm:s0], s1  }
0xa1: {  	s0 =	simm.s32 @!p0 $0x3  }
0xa2: {  	_ =	swait.ge @!p0 [sflag:s0], s1  }
0xa3: {  	s1 =	ssub.s32 @!p0 $0x0, s1;
	[sflag:s0] =	ssyncset.done @!p0 $0x0  }
0xa4: {  	[sflag:s0] =	ssyncadd.s32 @!p0 s1  }
0xa5: {  	[bflag:$0x3] =	sbarrier.arrive $0xFFFF  }
0xa6: {  	_ =	shalt  }

</sc_bundles>
